<compile_context>
chip_gen: v7x
topology: tpu7x:2x2x1
jax: 0.10.2.dev20260603
libtpu: 0.0.44.dev20260713+nightly
codegen_flags: <defaults>
</compile_context>

<pallas_src>
import functools
import math

import jax
import jax.numpy as jnp
import numpy as np
from jax.experimental import pallas as pl
from jax.experimental.pallas import tpu as pltpu

_D = 1024
_CH = 128
_NCH = _D // _CH
_BN = 512
_NSUB = 2


def _had128_over32_bf16():
    i = np.arange(_CH)
    pc = np.array([bin(v).count("1") for v in range(_CH)])
    signs = (1.0 - 2.0 * (pc[(i[:, None] & i[None, :])] % 2)) / 32.0
    return jnp.asarray(signs, dtype=jnp.bfloat16)


def _h8(t):
    k = jax.lax.broadcasted_iota(jnp.int32, (1, _NCH, 1), 1)
    for s in (4, 2, 1):
        lo = (k & s) == 0
        sgn = jnp.where(lo, 1.0, -1.0)
        if s == 4:
            swap = pltpu.roll(t, 4, axis=1)
        else:
            swap = jnp.where(lo, pltpu.roll(t, _NCH - s, axis=1),
                             pltpu.roll(t, s, axis=1))
        t = swap + t * sgn
    return t


def _i16h8_bf16():
    i = np.arange(_NCH)
    pc = np.array([bin(v).count("1") for v in range(_NCH)])
    h8 = 1.0 - 2.0 * (pc[(i[:, None] & i[None, :])] % 2)
    return jnp.asarray(np.kron(np.eye(_CH // _NCH), h8), dtype=jnp.bfloat16)


def _xp(a):
    r = a.shape[0]
    return jnp.swapaxes(a.reshape(r // _CH, _CH, _CH), 1, 2).reshape(r, _CH)


def _mm2(a, h):
    ah = a.astype(jnp.bfloat16)
    al = (a - ah.astype(jnp.float32)).astype(jnp.bfloat16)
    return (jnp.dot(ah, h, preferred_element_type=jnp.float32)
            + jnp.dot(al, h, preferred_element_type=jnp.float32))


def _half(x, sig, h, m8, c_ref, b_ref):
    bn = x.shape[0]
    t = _h8(x * sig)
    y = _mm2(t.reshape(bn * _NCH, _CH), h)

    b = [b_ref[i] for i in range(15)]
    w = jnp.where
    m3 = y > b[7]
    m2 = y > w(m3, b[11], b[3])
    m1 = y > w(m3, w(m2, b[13], b[9]), w(m2, b[5], b[1]))
    m0 = y > w(m3,
               w(m2, w(m1, b[14], b[12]), w(m1, b[10], b[8])),
               w(m2, w(m1, b[6], b[4]), w(m1, b[2], b[0])))
    p16 = [64.0 * i + c_ref[i] for i in range(16)]
    q = [w(m0, p16[2 * j + 1], p16[2 * j]) for j in range(8)]
    q = [w(m1, q[2 * j + 1], q[2 * j]) for j in range(4)]
    q = [w(m2, q[2 * j + 1], q[2 * j]) for j in range(2)]
    p = w(m3, q[1], q[0])
    idxf = jnp.round(p * (1.0 / 64.0))
    yh = p - idxf * 64.0

    v = jnp.dot(yh.astype(jnp.bfloat16), h,
                preferred_element_type=jnp.float32)
    v = _xp(jnp.dot(_xp(v).astype(jnp.bfloat16), m8,
                    preferred_element_type=jnp.float32))
    xhat = v.reshape(bn, _NCH, _CH) * sig
    return xhat, idxf.astype(jnp.int32).reshape(bn, _NCH, _CH)


def _tq_kernel(x_ref, sig_ref, h_ref, m8_ref, c_ref, b_ref, xhat_ref, idx_ref):
    h, m8, sig = h_ref[...], m8_ref[...], sig_ref[...]
    hn = _BN // _NSUB
    for j in range(_NSUB):
        xa, ia = _half(x_ref[j * hn:(j + 1) * hn], sig, h, m8, c_ref, b_ref)
        xhat_ref[j * hn:(j + 1) * hn] = xa
        idx_ref[j * hn:(j + 1) * hn] = ia


@jax.jit
def kernel(x, sigma, centroids, boundaries):
    n = x.shape[0]
    h = _had128_over32_bf16()
    m8 = _i16h8_bf16()
    grid = (n // _BN,)
    x_hat, idx = pl.pallas_call(
        _tq_kernel,
        grid=grid,
        in_specs=[
            pl.BlockSpec((_BN, _NCH, _CH), lambda i: (i, 0, 0)),
            pl.BlockSpec((1, _NCH, _CH), lambda i: (0, 0, 0)),
            pl.BlockSpec((_CH, _CH), lambda i: (0, 0)),
            pl.BlockSpec((_CH, _CH), lambda i: (0, 0)),
            pl.BlockSpec(memory_space=pltpu.SMEM),
            pl.BlockSpec(memory_space=pltpu.SMEM),
        ],
        out_specs=[
            pl.BlockSpec((_BN, _NCH, _CH), lambda i: (i, 0, 0)),
            pl.BlockSpec((_BN, _NCH, _CH), lambda i: (i, 0, 0)),
        ],
        out_shape=[
            jax.ShapeDtypeStruct((n, _NCH, _CH), jnp.float32),
            jax.ShapeDtypeStruct((n, _NCH, _CH), jnp.int32),
        ],
    )(x.reshape(n, _NCH, _CH), sigma.reshape(1, _NCH, _CH), h, m8,
      centroids, boundaries)
    return (x_hat.reshape(n, _D), idx.reshape(n, _D))

# --- scband reference (transcript-rebuilt; emitter-appended) ---
"""Pipeline reference for scband-turbo-quant-mse-81604378624045 (READ-ONLY COPY).

The authoritative reference and input builder live on the scoring server;
editing this copy changes nothing except your own understanding.
"""

import jax, jax.numpy as jnp
import numpy as np
import math
from jax.scipy.special import ndtr, ndtri

D = 1024
BITS = 4
N = 32768

def fwht(x):
    d = x.shape[-1]
    batch_shape = x.shape[:-1]
    h = 1
    while h < d:
        x = x.reshape(*batch_shape, d // (2 * h), 2, h)
        a = x[..., 0, :]
        b = x[..., 1, :]
        x = jnp.stack([a + b, a - b], axis=-2)
        h <<= 1
    return x.reshape(*batch_shape, d)

def wht_rotate(x, sigma):
    d = x.shape[-1]
    y = x * sigma
    y = fwht(y)
    return y * (1.0 / math.sqrt(d))

def wht_unrotate(y, sigma):
    d = y.shape[-1]
    x = fwht(y)
    return sigma * x * (1.0 / math.sqrt(d))

def lloyd_max_gaussian(bits, iters=100):
    # Lloyd-Max scalar quantizer for N(0,1): closed-form centroid update using
    # Gaussian pdf/cdf, boundaries are midpoints of adjacent centroids.
    K = 2 ** bits
    c = ndtri((jnp.arange(K, dtype=jnp.float32) + 0.5) / K).astype(jnp.float32)
    b = (c[:-1] + c[1:]) / 2.0
    for _ in range(iters):
        b = (c[:-1] + c[1:]) / 2.0
        bf = jnp.concatenate([jnp.array([-20.0], dtype=jnp.float32), b, jnp.array([20.0], dtype=jnp.float32)])
        phi = jnp.exp(-0.5 * bf ** 2) / jnp.sqrt(2.0 * jnp.pi).astype(jnp.float32)
        Phi = ndtr(bf)
        c = (phi[:-1] - phi[1:]) / (Phi[1:] - Phi[:-1])
    b = (c[:-1] + c[1:]) / 2.0
    return c.astype(jnp.float32), b.astype(jnp.float32)

def setup_inputs(seed: int = 0):
    key = jax.random.key(seed)
    kx, ks = jax.random.split(key)
    x = jax.random.normal(kx, (N, D), dtype=jnp.float32)
    sigma = (2 * jax.random.randint(ks, (D,), 0, 2) - 1).astype(jnp.float32)
    centroids, boundaries = lloyd_max_gaussian(BITS)
    return {"x": x, "sigma": sigma, "centroids": centroids, "boundaries": boundaries}

def reference(x, sigma, centroids, boundaries):
    # quantize: rotate then bucketize (torch.bucketize right=False == searchsorted side='left')
    y = wht_rotate(x, sigma)
    indices = jnp.searchsorted(boundaries, y, side='left')
    # dequantize: centroid gather then inverse rotation
    y_hat = centroids[indices]
    x_hat = wht_unrotate(y_hat, sigma)
    return (x_hat, indices)

if __name__ == "__main__":
    import jax
    _d = setup_inputs()
    print(jax.jit(kernel)(*tuple(_d.values())))

</pallas_src>

<mosaic_0001>
module attributes {stable_mosaic.version = 14 : i64} {
  func.func @_tq_kernel(%arg0: i32, %arg1: memref<512x8x128xf32, #tpu.memory_space<vmem>>, %arg2: memref<1x8x128xf32, #tpu.memory_space<vmem>>, %arg3: memref<128x128xbf16, #tpu.memory_space<vmem>>, %arg4: memref<128x128xbf16, #tpu.memory_space<vmem>>, %arg5: memref<16xf32, #tpu.memory_space<smem>>, %arg6: memref<15xf32, #tpu.memory_space<smem>>, %arg7: memref<512x8x128xf32, #tpu.memory_space<vmem>>, %arg8: memref<512x8x128xi32, #tpu.memory_space<vmem>>) attributes {dimension_semantics = [#tpu.dimension_semantics<arbitrary>], iteration_bounds = array<i64: 64>, scalar_prefetch = 0 : i64, scratch_operands = 0 : i64, tpu.core_type = #tpu.core_type<tc>, window_params = [{transform_indices = @transform_0, window_bounds = array<i64: 512, 8, 128>}, {pipeline_mode = #tpu.pipeline_mode<synchronous>, transform_indices = @transform_1, window_bounds = array<i64: 1, 8, 128>}, {pipeline_mode = #tpu.pipeline_mode<synchronous>, transform_indices = @transform_2, window_bounds = array<i64: 128, 128>}, {pipeline_mode = #tpu.pipeline_mode<synchronous>, transform_indices = @transform_3, window_bounds = array<i64: 128, 128>}, {transform_indices = @transform_4, window_bounds = array<i64: 16>}, {transform_indices = @transform_5, window_bounds = array<i64: 15>}, {transform_indices = @transform_6, window_bounds = array<i64: 512, 8, 128>}, {transform_indices = @transform_7, window_bounds = array<i64: 512, 8, 128>}]} {
    %get3A = arith.constant 0 : index
    %get3A_0 = arith.constant 0 : index
    %get3A_1 = vector.load %arg3[%get3A, %get3A_0] : memref<128x128xbf16, #tpu.memory_space<vmem>>, vector<128x128xbf16>
    %get3A_2 = arith.constant 0 : index
    %get3A_3 = arith.constant 0 : index
    %get3A_4 = vector.load %arg4[%get3A_2, %get3A_3] : memref<128x128xbf16, #tpu.memory_space<vmem>>, vector<128x128xbf16>
    %get3A_5 = arith.constant 0 : index
    %get3A_6 = arith.constant 0 : index
    %get3A_7 = arith.constant 0 : index
    %get3A_8 = vector.load %arg2[%get3A_5, %get3A_6, %get3A_7] : memref<1x8x128xf32, #tpu.memory_space<vmem>>, vector<1x8x128xf32>
    %get3A_9 = arith.constant 0 : index
    %get3A_10 = arith.constant 0 : index
    %get3A_11 = arith.constant 0 : index
    %get3A_12 = vector.load %arg1[%get3A_9, %get3A_10, %get3A_11] : memref<512x8x128xf32, #tpu.memory_space<vmem>>, vector<256x8x128xf32>
    %mul3A = vector.broadcast %get3A_8 : vector<1x8x128xf32> to vector<256x8x128xf32>
    %mul3A_13 = arith.mulf %get3A_12, %mul3A : vector<256x8x128xf32>
    %iota3A = tpu.iota {dimensions = array<i32: 1>} : vector<1x8x1xi32>
    %and3A = arith.constant 4 : i32
    %and3A_14 = vector.broadcast %and3A : i32 to vector<1x8x1xi32>
    %and3A_15 = arith.andi %iota3A, %and3A_14 : vector<1x8x1xi32>
    %eq3A = arith.constant 0 : i32
    %eq3A_16 = vector.broadcast %eq3A : i32 to vector<1x8x1xi32>
    %eq3A_17 = arith.cmpi eq, %and3A_15, %eq3A_16 : vector<1x8x1xi32>
    %jit3A = arith.constant 1.000000e+00 : f32
    %jit3A_18 = arith.constant -1.000000e+00 : f32
    %broadcast_in_dim3A = vector.broadcast %jit3A : f32 to vector<1x8x1xf32>
    %broadcast_in_dim3A_19 = vector.broadcast %jit3A_18 : f32 to vector<1x8x1xf32>
    %select_n3A = arith.select %eq3A_17, %broadcast_in_dim3A, %broadcast_in_dim3A_19 : vector<1x8x1xi1>, vector<1x8x1xf32>
    %roll3A = arith.constant 4 : i32
    %roll3A_20 = tpu.dynamic_rotate %mul3A_13 by %roll3A dim 1 : vector<256x8x128xf32>, i32 -> vector<256x8x128xf32>
    %mul3A_21 = vector.broadcast %select_n3A : vector<1x8x1xf32> to vector<256x8x128xf32>
    %mul3A_22 = arith.mulf %mul3A_13, %mul3A_21 : vector<256x8x128xf32>
    %add3A = arith.addf %roll3A_20, %mul3A_22 : vector<256x8x128xf32>
    %and3A_23 = arith.constant 2 : i32
    %and3A_24 = vector.broadcast %and3A_23 : i32 to vector<1x8x1xi32>
    %and3A_25 = arith.andi %iota3A, %and3A_24 : vector<1x8x1xi32>
    %eq3A_26 = arith.constant 0 : i32
    %eq3A_27 = vector.broadcast %eq3A_26 : i32 to vector<1x8x1xi32>
    %eq3A_28 = arith.cmpi eq, %and3A_25, %eq3A_27 : vector<1x8x1xi32>
    %jit3A_29 = arith.constant 1.000000e+00 : f32
    %jit3A_30 = arith.constant -1.000000e+00 : f32
    %broadcast_in_dim3A_31 = vector.broadcast %jit3A_29 : f32 to vector<1x8x1xf32>
    %broadcast_in_dim3A_32 = vector.broadcast %jit3A_30 : f32 to vector<1x8x1xf32>
    %select_n3A_33 = arith.select %eq3A_28, %broadcast_in_dim3A_31, %broadcast_in_dim3A_32 : vector<1x8x1xi1>, vector<1x8x1xf32>
    %roll3A_34 = arith.constant 6 : i32
    %roll3A_35 = tpu.dynamic_rotate %add3A by %roll3A_34 dim 1 : vector<256x8x128xf32>, i32 -> vector<256x8x128xf32>
    %roll3A_36 = arith.constant 2 : i32
    %roll3A_37 = tpu.dynamic_rotate %add3A by %roll3A_36 dim 1 : vector<256x8x128xf32>, i32 -> vector<256x8x128xf32>
    %broadcast_in_dim3A_38 = vector.shape_cast %eq3A_28 : vector<1x8x1xi1> to vector<1x8x1xi1>
    %broadcast_in_dim3A_39 = vector.broadcast %broadcast_in_dim3A_38 : vector<1x8x1xi1> to vector<256x8x128xi1>
    %select_n3A_40 = arith.select %broadcast_in_dim3A_39, %roll3A_35, %roll3A_37 : vector<256x8x128xi1>, vector<256x8x128xf32>
    %mul3A_41 = vector.broadcast %select_n3A_33 : vector<1x8x1xf32> to vector<256x8x128xf32>
    %mul3A_42 = arith.mulf %add3A, %mul3A_41 : vector<256x8x128xf32>
    %add3A_43 = arith.addf %select_n3A_40, %mul3A_42 : vector<256x8x128xf32>
    %and3A_44 = arith.constant 1 : i32
    %and3A_45 = vector.broadcast %and3A_44 : i32 to vector<1x8x1xi32>
    %and3A_46 = arith.andi %iota3A, %and3A_45 : vector<1x8x1xi32>
    %eq3A_47 = arith.constant 0 : i32
    %eq3A_48 = vector.broadcast %eq3A_47 : i32 to vector<1x8x1xi32>
    %eq3A_49 = arith.cmpi eq, %and3A_46, %eq3A_48 : vector<1x8x1xi32>
    %jit3A_50 = arith.constant 1.000000e+00 : f32
    %jit3A_51 = arith.constant -1.000000e+00 : f32
    %broadcast_in_dim3A_52 = vector.broadcast %jit3A_50 : f32 to vector<1x8x1xf32>
    %broadcast_in_dim3A_53 = vector.broadcast %jit3A_51 : f32 to vector<1x8x1xf32>
    %select_n3A_54 = arith.select %eq3A_49, %broadcast_in_dim3A_52, %broadcast_in_dim3A_53 : vector<1x8x1xi1>, vector<1x8x1xf32>
    %roll3A_55 = arith.constant 7 : i32
    %roll3A_56 = tpu.dynamic_rotate %add3A_43 by %roll3A_55 dim 1 : vector<256x8x128xf32>, i32 -> vector<256x8x128xf32>
    %roll3A_57 = arith.constant 1 : i32
    %roll3A_58 = tpu.dynamic_rotate %add3A_43 by %roll3A_57 dim 1 : vector<256x8x128xf32>, i32 -> vector<256x8x128xf32>
    %broadcast_in_dim3A_59 = vector.shape_cast %eq3A_49 : vector<1x8x1xi1> to vector<1x8x1xi1>
    %broadcast_in_dim3A_60 = vector.broadcast %broadcast_in_dim3A_59 : vector<1x8x1xi1> to vector<256x8x128xi1>
    %select_n3A_61 = arith.select %broadcast_in_dim3A_60, %roll3A_56, %roll3A_58 : vector<256x8x128xi1>, vector<256x8x128xf32>
    %mul3A_62 = vector.broadcast %select_n3A_54 : vector<1x8x1xf32> to vector<256x8x128xf32>
    %mul3A_63 = arith.mulf %add3A_43, %mul3A_62 : vector<256x8x128xf32>
    %add3A_64 = arith.addf %select_n3A_61, %mul3A_63 : vector<256x8x128xf32>
    %reshape3A = vector.shape_cast %add3A_64 : vector<256x8x128xf32> to vector<2048x128xf32>
    %convert_element_type3A = arith.truncf %reshape3A : vector<2048x128xf32> to vector<2048x128xbf16>
    %convert_element_type3A_65 = arith.extf %convert_element_type3A : vector<2048x128xbf16> to vector<2048x128xf32>
    %sub3A = arith.subf %reshape3A, %convert_element_type3A_65 : vector<2048x128xf32>
    %convert_element_type3A_66 = arith.truncf %sub3A : vector<2048x128xf32> to vector<2048x128xbf16>
    %dot_general3A = arith.constant dense<0.000000e+00> : vector<2048x128xf32>
    %dot_general3A_67 = tpu.matmul %convert_element_type3A, %get3A_1, %dot_general3A {dimension_numbers = #tpu.dot_dimension_numbers<[1], [0], [0], [1], [0, 0, 1, 1], [], []>, transpose_lhs_hint = false} : vector<2048x128xbf16>, vector<128x128xbf16>, vector<2048x128xf32> -> vector<2048x128xf32>
    %dot_general3A_68 = arith.constant dense<0.000000e+00> : vector<2048x128xf32>
    %dot_general3A_69 = tpu.matmul %convert_element_type3A_66, %get3A_1, %dot_general3A_68 {dimension_numbers = #tpu.dot_dimension_numbers<[1], [0], [0], [1], [0, 0, 1, 1], [], []>, transpose_lhs_hint = false} : vector<2048x128xbf16>, vector<128x128xbf16>, vector<2048x128xf32> -> vector<2048x128xf32>
    %add3A_70 = arith.addf %dot_general3A_67, %dot_general3A_69 : vector<2048x128xf32>
    %get3A_71 = arith.constant 0 : index
    %get3A_72 = memref.load %arg6[%get3A_71] : memref<15xf32, #tpu.memory_space<smem>>
    %get3A_73 = arith.constant 1 : index
    %get3A_74 = memref.load %arg6[%get3A_73] : memref<15xf32, #tpu.memory_space<smem>>
    %get3A_75 = arith.constant 2 : index
    %get3A_76 = memref.load %arg6[%get3A_75] : memref<15xf32, #tpu.memory_space<smem>>
    %get3A_77 = arith.constant 3 : index
    %get3A_78 = memref.load %arg6[%get3A_77] : memref<15xf32, #tpu.memory_space<smem>>
    %get3A_79 = arith.constant 4 : index
    %get3A_80 = memref.load %arg6[%get3A_79] : memref<15xf32, #tpu.memory_space<smem>>
    %get3A_81 = arith.constant 5 : index
    %get3A_82 = memref.load %arg6[%get3A_81] : memref<15xf32, #tpu.memory_space<smem>>
    %get3A_83 = arith.constant 6 : index
    %get3A_84 = memref.load %arg6[%get3A_83] : memref<15xf32, #tpu.memory_space<smem>>
    %get3A_85 = arith.constant 7 : index
    %get3A_86 = memref.load %arg6[%get3A_85] : memref<15xf32, #tpu.memory_space<smem>>
    %get3A_87 = arith.constant 8 : index
    %get3A_88 = memref.load %arg6[%get3A_87] : memref<15xf32, #tpu.memory_space<smem>>
    %get3A_89 = arith.constant 9 : index
    %get3A_90 = memref.load %arg6[%get3A_89] : memref<15xf32, #tpu.memory_space<smem>>
    %get3A_91 = arith.constant 10 : index
    %get3A_92 = memref.load %arg6[%get3A_91] : memref<15xf32, #tpu.memory_space<smem>>
    %get3A_93 = arith.constant 11 : index
    %get3A_94 = memref.load %arg6[%get3A_93] : memref<15xf32, #tpu.memory_space<smem>>
    %get3A_95 = arith.constant 12 : index
    %get3A_96 = memref.load %arg6[%get3A_95] : memref<15xf32, #tpu.memory_space<smem>>
    %get3A_97 = arith.constant 13 : index
    %get3A_98 = memref.load %arg6[%get3A_97] : memref<15xf32, #tpu.memory_space<smem>>
    %get3A_99 = arith.constant 14 : index
    %get3A_100 = memref.load %arg6[%get3A_99] : memref<15xf32, #tpu.memory_space<smem>>
    %gt3A = vector.broadcast %get3A_86 : f32 to vector<2048x128xf32>
    %gt3A_101 = arith.cmpf ogt, %add3A_70, %gt3A : vector<2048x128xf32>
    %broadcast_in_dim3A_102 = vector.broadcast %get3A_94 : f32 to vector<2048x128xf32>
    %broadcast_in_dim3A_103 = vector.broadcast %get3A_78 : f32 to vector<2048x128xf32>
    %select_n3A_104 = arith.select %gt3A_101, %broadcast_in_dim3A_102, %broadcast_in_dim3A_103 : vector<2048x128xi1>, vector<2048x128xf32>
    %gt3A_105 = arith.cmpf ogt, %add3A_70, %select_n3A_104 : vector<2048x128xf32>
    %broadcast_in_dim3A_106 = vector.broadcast %get3A_98 : f32 to vector<2048x128xf32>
    %broadcast_in_dim3A_107 = vector.broadcast %get3A_90 : f32 to vector<2048x128xf32>
    %select_n3A_108 = arith.select %gt3A_105, %broadcast_in_dim3A_106, %broadcast_in_dim3A_107 : vector<2048x128xi1>, vector<2048x128xf32>
    %broadcast_in_dim3A_109 = vector.broadcast %get3A_82 : f32 to vector<2048x128xf32>
    %broadcast_in_dim3A_110 = vector.broadcast %get3A_74 : f32 to vector<2048x128xf32>
    %select_n3A_111 = arith.select %gt3A_105, %broadcast_in_dim3A_109, %broadcast_in_dim3A_110 : vector<2048x128xi1>, vector<2048x128xf32>
    %select_n3A_112 = arith.select %gt3A_101, %select_n3A_108, %select_n3A_111 : vector<2048x128xi1>, vector<2048x128xf32>
    %gt3A_113 = arith.cmpf ogt, %add3A_70, %select_n3A_112 : vector<2048x128xf32>
    %broadcast_in_dim3A_114 = vector.broadcast %get3A_100 : f32 to vector<2048x128xf32>
    %broadcast_in_dim3A_115 = vector.broadcast %get3A_96 : f32 to vector<2048x128xf32>
    %select_n3A_116 = arith.select %gt3A_113, %broadcast_in_dim3A_114, %broadcast_in_dim3A_115 : vector<2048x128xi1>, vector<2048x128xf32>
    %broadcast_in_dim3A_117 = vector.broadcast %get3A_92 : f32 to vector<2048x128xf32>
    %broadcast_in_dim3A_118 = vector.broadcast %get3A_88 : f32 to vector<2048x128xf32>
    %select_n3A_119 = arith.select %gt3A_113, %broadcast_in_dim3A_117, %broadcast_in_dim3A_118 : vector<2048x128xi1>, vector<2048x128xf32>
    %select_n3A_120 = arith.select %gt3A_105, %select_n3A_116, %select_n3A_119 : vector<2048x128xi1>, vector<2048x128xf32>
    %broadcast_in_dim3A_121 = vector.broadcast %get3A_84 : f32 to vector<2048x128xf32>
    %broadcast_in_dim3A_122 = vector.broadcast %get3A_80 : f32 to vector<2048x128xf32>
    %select_n3A_123 = arith.select %gt3A_113, %broadcast_in_dim3A_121, %broadcast_in_dim3A_122 : vector<2048x128xi1>, vector<2048x128xf32>
    %broadcast_in_dim3A_124 = vector.broadcast %get3A_76 : f32 to vector<2048x128xf32>
    %broadcast_in_dim3A_125 = vector.broadcast %get3A_72 : f32 to vector<2048x128xf32>
    %select_n3A_126 = arith.select %gt3A_113, %broadcast_in_dim3A_124, %broadcast_in_dim3A_125 : vector<2048x128xi1>, vector<2048x128xf32>
    %select_n3A_127 = arith.select %gt3A_105, %select_n3A_123, %select_n3A_126 : vector<2048x128xi1>, vector<2048x128xf32>
    %select_n3A_128 = arith.select %gt3A_101, %select_n3A_120, %select_n3A_127 : vector<2048x128xi1>, vector<2048x128xf32>
    %gt3A_129 = arith.cmpf ogt, %add3A_70, %select_n3A_128 : vector<2048x128xf32>
    %get3A_130 = arith.constant 0 : index
    %get3A_131 = memref.load %arg5[%get3A_130] : memref<16xf32, #tpu.memory_space<smem>>
    %add3A_132 = arith.constant 0.000000e+00 : f32
    %add3A_133 = arith.addf %add3A_132, %get3A_131 : f32
    %get3A_134 = arith.constant 1 : index
    %get3A_135 = memref.load %arg5[%get3A_134] : memref<16xf32, #tpu.memory_space<smem>>
    %add3A_136 = arith.constant 6.400000e+01 : f32
    %add3A_137 = arith.addf %add3A_136, %get3A_135 : f32
    %get3A_138 = arith.constant 2 : index
    %get3A_139 = memref.load %arg5[%get3A_138] : memref<16xf32, #tpu.memory_space<smem>>
    %add3A_140 = arith.constant 1.280000e+02 : f32
    %add3A_141 = arith.addf %add3A_140, %get3A_139 : f32
    %get3A_142 = arith.constant 3 : index
    %get3A_143 = memref.load %arg5[%get3A_142] : memref<16xf32, #tpu.memory_space<smem>>
    %add3A_144 = arith.constant 1.920000e+02 : f32
    %add3A_145 = arith.addf %add3A_144, %get3A_143 : f32
    %get3A_146 = arith.constant 4 : index
    %get3A_147 = memref.load %arg5[%get3A_146] : memref<16xf32, #tpu.memory_space<smem>>
    %add3A_148 = arith.constant 2.560000e+02 : f32
    %add3A_149 = arith.addf %add3A_148, %get3A_147 : f32
    %get3A_150 = arith.constant 5 : index
    %get3A_151 = memref.load %arg5[%get3A_150] : memref<16xf32, #tpu.memory_space<smem>>
    %add3A_152 = arith.constant 3.200000e+02 : f32
    %add3A_153 = arith.addf %add3A_152, %get3A_151 : f32
    %get3A_154 = arith.constant 6 : index
    %get3A_155 = memref.load %arg5[%get3A_154] : memref<16xf32, #tpu.memory_space<smem>>
    %add3A_156 = arith.constant 3.840000e+02 : f32
    %add3A_157 = arith.addf %add3A_156, %get3A_155 : f32
    %get3A_158 = arith.constant 7 : index
    %get3A_159 = memref.load %arg5[%get3A_158] : memref<16xf32, #tpu.memory_space<smem>>
    %add3A_160 = arith.constant 4.480000e+02 : f32
    %add3A_161 = arith.addf %add3A_160, %get3A_159 : f32
    %get3A_162 = arith.constant 8 : index
    %get3A_163 = memref.load %arg5[%get3A_162] : memref<16xf32, #tpu.memory_space<smem>>
    %add3A_164 = arith.constant 5.120000e+02 : f32
    %add3A_165 = arith.addf %add3A_164, %get3A_163 : f32
    %get3A_166 = arith.constant 9 : index
    %get3A_167 = memref.load %arg5[%get3A_166] : memref<16xf32, #tpu.memory_space<smem>>
    %add3A_168 = arith.constant 5.760000e+02 : f32
    %add3A_169 = arith.addf %add3A_168, %get3A_167 : f32
    %get3A_170 = arith.constant 10 : index
    %get3A_171 = memref.load %arg5[%get3A_170] : memref<16xf32, #tpu.memory_space<smem>>
    %add3A_172 = arith.constant 6.400000e+02 : f32
    %add3A_173 = arith.addf %add3A_172, %get3A_171 : f32
    %get3A_174 = arith.constant 11 : index
    %get3A_175 = memref.load %arg5[%get3A_174] : memref<16xf32, #tpu.memory_space<smem>>
    %add3A_176 = arith.constant 7.040000e+02 : f32
    %add3A_177 = arith.addf %add3A_176, %get3A_175 : f32
    %get3A_178 = arith.constant 12 : index
    %get3A_179 = memref.load %arg5[%get3A_178] : memref<16xf32, #tpu.memory_space<smem>>
    %add3A_180 = arith.constant 7.680000e+02 : f32
    %add3A_181 = arith.addf %add3A_180, %get3A_179 : f32
    %get3A_182 = arith.constant 13 : index
    %get3A_183 = memref.load %arg5[%get3A_182] : memref<16xf32, #tpu.memory_space<smem>>
    %add3A_184 = arith.constant 8.320000e+02 : f32
    %add3A_185 = arith.addf %add3A_184, %get3A_183 : f32
    %get3A_186 = arith.constant 14 : index
    %get3A_187 = memref.load %arg5[%get3A_186] : memref<16xf32, #tpu.memory_space<smem>>
    %add3A_188 = arith.constant 8.960000e+02 : f32
    %add3A_189 = arith.addf %add3A_188, %get3A_187 : f32
    %get3A_190 = arith.constant 15 : index
    %get3A_191 = memref.load %arg5[%get3A_190] : memref<16xf32, #tpu.memory_space<smem>>
    %add3A_192 = arith.constant 9.600000e+02 : f32
    %add3A_193 = arith.addf %add3A_192, %get3A_191 : f32
    %broadcast_in_dim3A_194 = vector.broadcast %add3A_137 : f32 to vector<2048x128xf32>
    %broadcast_in_dim3A_195 = vector.broadcast %add3A_133 : f32 to vector<2048x128xf32>
    %select_n3A_196 = arith.select %gt3A_129, %broadcast_in_dim3A_194, %broadcast_in_dim3A_195 : vector<2048x128xi1>, vector<2048x128xf32>
    %broadcast_in_dim3A_197 = vector.broadcast %add3A_145 : f32 to vector<2048x128xf32>
    %broadcast_in_dim3A_198 = vector.broadcast %add3A_141 : f32 to vector<2048x128xf32>
    %select_n3A_199 = arith.select %gt3A_129, %broadcast_in_dim3A_197, %broadcast_in_dim3A_198 : vector<2048x128xi1>, vector<2048x128xf32>
    %broadcast_in_dim3A_200 = vector.broadcast %add3A_153 : f32 to vector<2048x128xf32>
    %broadcast_in_dim3A_201 = vector.broadcast %add3A_149 : f32 to vector<2048x128xf32>
    %select_n3A_202 = arith.select %gt3A_129, %broadcast_in_dim3A_200, %broadcast_in_dim3A_201 : vector<2048x128xi1>, vector<2048x128xf32>
    %broadcast_in_dim3A_203 = vector.broadcast %add3A_161 : f32 to vector<2048x128xf32>
    %broadcast_in_dim3A_204 = vector.broadcast %add3A_157 : f32 to vector<2048x128xf32>
    %select_n3A_205 = arith.select %gt3A_129, %broadcast_in_dim3A_203, %broadcast_in_dim3A_204 : vector<2048x128xi1>, vector<2048x128xf32>
    %broadcast_in_dim3A_206 = vector.broadcast %add3A_169 : f32 to vector<2048x128xf32>
    %broadcast_in_dim3A_207 = vector.broadcast %add3A_165 : f32 to vector<2048x128xf32>
    %select_n3A_208 = arith.select %gt3A_129, %broadcast_in_dim3A_206, %broadcast_in_dim3A_207 : vector<2048x128xi1>, vector<2048x128xf32>
    %broadcast_in_dim3A_209 = vector.broadcast %add3A_177 : f32 to vector<2048x128xf32>
    %broadcast_in_dim3A_210 = vector.broadcast %add3A_173 : f32 to vector<2048x128xf32>
    %select_n3A_211 = arith.select %gt3A_129, %broadcast_in_dim3A_209, %broadcast_in_dim3A_210 : vector<2048x128xi1>, vector<2048x128xf32>
    %broadcast_in_dim3A_212 = vector.broadcast %add3A_185 : f32 to vector<2048x128xf32>
    %broadcast_in_dim3A_213 = vector.broadcast %add3A_181 : f32 to vector<2048x128xf32>
    %select_n3A_214 = arith.select %gt3A_129, %broadcast_in_dim3A_212, %broadcast_in_dim3A_213 : vector<2048x128xi1>, vector<2048x128xf32>
    %broadcast_in_dim3A_215 = vector.broadcast %add3A_193 : f32 to vector<2048x128xf32>
    %broadcast_in_dim3A_216 = vector.broadcast %add3A_189 : f32 to vector<2048x128xf32>
    %select_n3A_217 = arith.select %gt3A_129, %broadcast_in_dim3A_215, %broadcast_in_dim3A_216 : vector<2048x128xi1>, vector<2048x128xf32>
    %select_n3A_218 = arith.select %gt3A_113, %select_n3A_199, %select_n3A_196 : vector<2048x128xi1>, vector<2048x128xf32>
    %select_n3A_219 = arith.select %gt3A_113, %select_n3A_205, %select_n3A_202 : vector<2048x128xi1>, vector<2048x128xf32>
    %select_n3A_220 = arith.select %gt3A_113, %select_n3A_211, %select_n3A_208 : vector<2048x128xi1>, vector<2048x128xf32>
    %select_n3A_221 = arith.select %gt3A_113, %select_n3A_217, %select_n3A_214 : vector<2048x128xi1>, vector<2048x128xf32>
    %select_n3A_222 = arith.select %gt3A_105, %select_n3A_219, %select_n3A_218 : vector<2048x128xi1>, vector<2048x128xf32>
    %select_n3A_223 = arith.select %gt3A_105, %select_n3A_221, %select_n3A_220 : vector<2048x128xi1>, vector<2048x128xf32>
    %select_n3A_224 = arith.select %gt3A_101, %select_n3A_223, %select_n3A_222 : vector<2048x128xi1>, vector<2048x128xf32>
    %mul3A_225 = arith.constant 1.562500e-02 : f32
    %mul3A_226 = vector.broadcast %mul3A_225 : f32 to vector<2048x128xf32>
    %mul3A_227 = arith.mulf %select_n3A_224, %mul3A_226 : vector<2048x128xf32>
    %round3A = math.roundeven %mul3A_227 : vector<2048x128xf32>
    %mul3A_228 = arith.constant 6.400000e+01 : f32
    %mul3A_229 = vector.broadcast %mul3A_228 : f32 to vector<2048x128xf32>
    %mul3A_230 = arith.mulf %round3A, %mul3A_229 : vector<2048x128xf32>
    %sub3A_231 = arith.subf %select_n3A_224, %mul3A_230 : vector<2048x128xf32>
    %convert_element_type3A_232 = arith.truncf %sub3A_231 : vector<2048x128xf32> to vector<2048x128xbf16>
    %dot_general3A_233 = arith.constant dense<0.000000e+00> : vector<2048x128xf32>
    %dot_general3A_234 = tpu.matmul %convert_element_type3A_232, %get3A_1, %dot_general3A_233 {dimension_numbers = #tpu.dot_dimension_numbers<[1], [0], [0], [1], [0, 0, 1, 1], [], []>, transpose_lhs_hint = false} : vector<2048x128xbf16>, vector<128x128xbf16>, vector<2048x128xf32> -> vector<2048x128xf32>
    %reshape3A_235 = vector.shape_cast %dot_general3A_234 : vector<2048x128xf32> to vector<16x128x128xf32>
    %transpose3A = tpu.transpose %reshape3A_235, [0, 2, 1] : vector<16x128x128xf32> -> vector<16x128x128xf32>
    %reshape3A_236 = vector.shape_cast %transpose3A : vector<16x128x128xf32> to vector<2048x128xf32>
    %convert_element_type3A_237 = arith.truncf %reshape3A_236 : vector<2048x128xf32> to vector<2048x128xbf16>
    %dot_general3A_238 = arith.constant dense<0.000000e+00> : vector<2048x128xf32>
    %dot_general3A_239 = tpu.matmul %convert_element_type3A_237, %get3A_4, %dot_general3A_238 {dimension_numbers = #tpu.dot_dimension_numbers<[1], [0], [0], [1], [0, 0, 1, 1], [], []>, transpose_lhs_hint = false} : vector<2048x128xbf16>, vector<128x128xbf16>, vector<2048x128xf32> -> vector<2048x128xf32>
    %reshape3A_240 = vector.shape_cast %dot_general3A_239 : vector<2048x128xf32> to vector<16x128x128xf32>
    %transpose3A_241 = tpu.transpose %reshape3A_240, [0, 2, 1] : vector<16x128x128xf32> -> vector<16x128x128xf32>
    %reshape3A_242 = vector.shape_cast %transpose3A_241 : vector<16x128x128xf32> to vector<2048x128xf32>
    %reshape3A_243 = vector.shape_cast %reshape3A_242 : vector<2048x128xf32> to vector<256x8x128xf32>
    %mul3A_244 = vector.broadcast %get3A_8 : vector<1x8x128xf32> to vector<256x8x128xf32>
    %mul3A_245 = arith.mulf %reshape3A_243, %mul3A_244 : vector<256x8x128xf32>
    %convert_element_type3A_246 = arith.fptosi %round3A : vector<2048x128xf32> to vector<2048x128xi32>
    %reshape3A_247 = vector.shape_cast %convert_element_type3A_246 : vector<2048x128xi32> to vector<256x8x128xi32>
    %swap3A = arith.constant 0 : index
    %swap3A_248 = arith.constant 0 : index
    %swap3A_249 = arith.constant 0 : index
    %swap3A_250 = vector.load %arg7[%swap3A, %swap3A_248, %swap3A_249] : memref<512x8x128xf32, #tpu.memory_space<vmem>>, vector<256x8x128xf32>
    tpu.vector_store %arg7[%swap3A, %swap3A_248, %swap3A_249], %mul3A_245 {strides = array<i32>} : memref<512x8x128xf32, #tpu.memory_space<vmem>>, vector<256x8x128xf32>,
    %swap3A_251 = arith.constant 0 : index
    %swap3A_252 = arith.constant 0 : index
    %swap3A_253 = arith.constant 0 : index
    %swap3A_254 = vector.load %arg8[%swap3A_251, %swap3A_252, %swap3A_253] : memref<512x8x128xi32, #tpu.memory_space<vmem>>, vector<256x8x128xi32>
    tpu.vector_store %arg8[%swap3A_251, %swap3A_252, %swap3A_253], %reshape3A_247 {strides = array<i32>} : memref<512x8x128xi32, #tpu.memory_space<vmem>>, vector<256x8x128xi32>,
    %get3A_255 = arith.constant 256 : index
    %get3A_256 = arith.constant 0 : index
    %get3A_257 = arith.constant 0 : index
    %get3A_258 = vector.load %arg1[%get3A_255, %get3A_256, %get3A_257] : memref<512x8x128xf32, #tpu.memory_space<vmem>>, vector<256x8x128xf32>
    %mul3A_259 = vector.broadcast %get3A_8 : vector<1x8x128xf32> to vector<256x8x128xf32>
    %mul3A_260 = arith.mulf %get3A_258, %mul3A_259 : vector<256x8x128xf32>
    %iota3A_261 = tpu.iota {dimensions = array<i32: 1>} : vector<1x8x1xi32>
    %and3A_262 = arith.constant 4 : i32
    %and3A_263 = vector.broadcast %and3A_262 : i32 to vector<1x8x1xi32>
    %and3A_264 = arith.andi %iota3A_261, %and3A_263 : vector<1x8x1xi32>
    %eq3A_265 = arith.constant 0 : i32
    %eq3A_266 = vector.broadcast %eq3A_265 : i32 to vector<1x8x1xi32>
    %eq3A_267 = arith.cmpi eq, %and3A_264, %eq3A_266 : vector<1x8x1xi32>
    %jit3A_268 = arith.constant 1.000000e+00 : f32
    %jit3A_269 = arith.constant -1.000000e+00 : f32
    %broadcast_in_dim3A_270 = vector.broadcast %jit3A_268 : f32 to vector<1x8x1xf32>
    %broadcast_in_dim3A_271 = vector.broadcast %jit3A_269 : f32 to vector<1x8x1xf32>
    %select_n3A_272 = arith.select %eq3A_267, %broadcast_in_dim3A_270, %broadcast_in_dim3A_271 : vector<1x8x1xi1>, vector<1x8x1xf32>
    %roll3A_273 = arith.constant 4 : i32
    %roll3A_274 = tpu.dynamic_rotate %mul3A_260 by %roll3A_273 dim 1 : vector<256x8x128xf32>, i32 -> vector<256x8x128xf32>
    %mul3A_275 = vector.broadcast %select_n3A_272 : vector<1x8x1xf32> to vector<256x8x128xf32>
    %mul3A_276 = arith.mulf %mul3A_260, %mul3A_275 : vector<256x8x128xf32>
    %add3A_277 = arith.addf %roll3A_274, %mul3A_276 : vector<256x8x128xf32>
    %and3A_278 = arith.constant 2 : i32
    %and3A_279 = vector.broadcast %and3A_278 : i32 to vector<1x8x1xi32>
    %and3A_280 = arith.andi %iota3A_261, %and3A_279 : vector<1x8x1xi32>
    %eq3A_281 = arith.constant 0 : i32
    %eq3A_282 = vector.broadcast %eq3A_281 : i32 to vector<1x8x1xi32>
    %eq3A_283 = arith.cmpi eq, %and3A_280, %eq3A_282 : vector<1x8x1xi32>
    %jit3A_284 = arith.constant 1.000000e+00 : f32
    %jit3A_285 = arith.constant -1.000000e+00 : f32
    %broadcast_in_dim3A_286 = vector.broadcast %jit3A_284 : f32 to vector<1x8x1xf32>
    %broadcast_in_dim3A_287 = vector.broadcast %jit3A_285 : f32 to vector<1x8x1xf32>
    %select_n3A_288 = arith.select %eq3A_283, %broadcast_in_dim3A_286, %broadcast_in_dim3A_287 : vector<1x8x1xi1>, vector<1x8x1xf32>
    %roll3A_289 = arith.constant 6 : i32
    %roll3A_290 = tpu.dynamic_rotate %add3A_277 by %roll3A_289 dim 1 : vector<256x8x128xf32>, i32 -> vector<256x8x128xf32>
    %roll3A_291 = arith.constant 2 : i32
    %roll3A_292 = tpu.dynamic_rotate %add3A_277 by %roll3A_291 dim 1 : vector<256x8x128xf32>, i32 -> vector<256x8x128xf32>
    %broadcast_in_dim3A_293 = vector.shape_cast %eq3A_283 : vector<1x8x1xi1> to vector<1x8x1xi1>
    %broadcast_in_dim3A_294 = vector.broadcast %broadcast_in_dim3A_293 : vector<1x8x1xi1> to vector<256x8x128xi1>
    %select_n3A_295 = arith.select %broadcast_in_dim3A_294, %roll3A_290, %roll3A_292 : vector<256x8x128xi1>, vector<256x8x128xf32>
    %mul3A_296 = vector.broadcast %select_n3A_288 : vector<1x8x1xf32> to vector<256x8x128xf32>
    %mul3A_297 = arith.mulf %add3A_277, %mul3A_296 : vector<256x8x128xf32>
    %add3A_298 = arith.addf %select_n3A_295, %mul3A_297 : vector<256x8x128xf32>
    %and3A_299 = arith.constant 1 : i32
    %and3A_300 = vector.broadcast %and3A_299 : i32 to vector<1x8x1xi32>
    %and3A_301 = arith.andi %iota3A_261, %and3A_300 : vector<1x8x1xi32>
    %eq3A_302 = arith.constant 0 : i32
    %eq3A_303 = vector.broadcast %eq3A_302 : i32 to vector<1x8x1xi32>
    %eq3A_304 = arith.cmpi eq, %and3A_301, %eq3A_303 : vector<1x8x1xi32>
    %jit3A_305 = arith.constant 1.000000e+00 : f32
    %jit3A_306 = arith.constant -1.000000e+00 : f32
    %broadcast_in_dim3A_307 = vector.broadcast %jit3A_305 : f32 to vector<1x8x1xf32>
    %broadcast_in_dim3A_308 = vector.broadcast %jit3A_306 : f32 to vector<1x8x1xf32>
    %select_n3A_309 = arith.select %eq3A_304, %broadcast_in_dim3A_307, %broadcast_in_dim3A_308 : vector<1x8x1xi1>, vector<1x8x1xf32>
    %roll3A_310 = arith.constant 7 : i32
    %roll3A_311 = tpu.dynamic_rotate %add3A_298 by %roll3A_310 dim 1 : vector<256x8x128xf32>, i32 -> vector<256x8x128xf32>
    %roll3A_312 = arith.constant 1 : i32
    %roll3A_313 = tpu.dynamic_rotate %add3A_298 by %roll3A_312 dim 1 : vector<256x8x128xf32>, i32 -> vector<256x8x128xf32>
    %broadcast_in_dim3A_314 = vector.shape_cast %eq3A_304 : vector<1x8x1xi1> to vector<1x8x1xi1>
    %broadcast_in_dim3A_315 = vector.broadcast %broadcast_in_dim3A_314 : vector<1x8x1xi1> to vector<256x8x128xi1>
    %select_n3A_316 = arith.select %broadcast_in_dim3A_315, %roll3A_311, %roll3A_313 : vector<256x8x128xi1>, vector<256x8x128xf32>
    %mul3A_317 = vector.broadcast %select_n3A_309 : vector<1x8x1xf32> to vector<256x8x128xf32>
    %mul3A_318 = arith.mulf %add3A_298, %mul3A_317 : vector<256x8x128xf32>
    %add3A_319 = arith.addf %select_n3A_316, %mul3A_318 : vector<256x8x128xf32>
    %reshape3A_320 = vector.shape_cast %add3A_319 : vector<256x8x128xf32> to vector<2048x128xf32>
    %convert_element_type3A_321 = arith.truncf %reshape3A_320 : vector<2048x128xf32> to vector<2048x128xbf16>
    %convert_element_type3A_322 = arith.extf %convert_element_type3A_321 : vector<2048x128xbf16> to vector<2048x128xf32>
    %sub3A_323 = arith.subf %reshape3A_320, %convert_element_type3A_322 : vector<2048x128xf32>
    %convert_element_type3A_324 = arith.truncf %sub3A_323 : vector<2048x128xf32> to vector<2048x128xbf16>
    %dot_general3A_325 = arith.constant dense<0.000000e+00> : vector<2048x128xf32>
    %dot_general3A_326 = tpu.matmul %convert_element_type3A_321, %get3A_1, %dot_general3A_325 {dimension_numbers = #tpu.dot_dimension_numbers<[1], [0], [0], [1], [0, 0, 1, 1], [], []>, transpose_lhs_hint = false} : vector<2048x128xbf16>, vector<128x128xbf16>, vector<2048x128xf32> -> vector<2048x128xf32>
    %dot_general3A_327 = arith.constant dense<0.000000e+00> : vector<2048x128xf32>
    %dot_general3A_328 = tpu.matmul %convert_element_type3A_324, %get3A_1, %dot_general3A_327 {dimension_numbers = #tpu.dot_dimension_numbers<[1], [0], [0], [1], [0, 0, 1, 1], [], []>, transpose_lhs_hint = false} : vector<2048x128xbf16>, vector<128x128xbf16>, vector<2048x128xf32> -> vector<2048x128xf32>
    %add3A_329 = arith.addf %dot_general3A_326, %dot_general3A_328 : vector<2048x128xf32>
    %get3A_330 = arith.constant 0 : index
    %get3A_331 = memref.load %arg6[%get3A_330] : memref<15xf32, #tpu.memory_space<smem>>
    %get3A_332 = arith.constant 1 : index
    %get3A_333 = memref.load %arg6[%get3A_332] : memref<15xf32, #tpu.memory_space<smem>>
    %get3A_334 = arith.constant 2 : index
    %get3A_335 = memref.load %arg6[%get3A_334] : memref<15xf32, #tpu.memory_space<smem>>
    %get3A_336 = arith.constant 3 : index
    %get3A_337 = memref.load %arg6[%get3A_336] : memref<15xf32, #tpu.memory_space<smem>>
    %get3A_338 = arith.constant 4 : index
    %get3A_339 = memref.load %arg6[%get3A_338] : memref<15xf32, #tpu.memory_space<smem>>
    %get3A_340 = arith.constant 5 : index
    %get3A_341 = memref.load %arg6[%get3A_340] : memref<15xf32, #tpu.memory_space<smem>>
    %get3A_342 = arith.constant 6 : index
    %get3A_343 = memref.load %arg6[%get3A_342] : memref<15xf32, #tpu.memory_space<smem>>
    %get3A_344 = arith.constant 7 : index
    %get3A_345 = memref.load %arg6[%get3A_344] : memref<15xf32, #tpu.memory_space<smem>>
    %get3A_346 = arith.constant 8 : index
    %get3A_347 = memref.load %arg6[%get3A_346] : memref<15xf32, #tpu.memory_space<smem>>
    %get3A_348 = arith.constant 9 : index
    %get3A_349 = memref.load %arg6[%get3A_348] : memref<15xf32, #tpu.memory_space<smem>>
    %get3A_350 = arith.constant 10 : index
    %get3A_351 = memref.load %arg6[%get3A_350] : memref<15xf32, #tpu.memory_space<smem>>
    %get3A_352 = arith.constant 11 : index
    %get3A_353 = memref.load %arg6[%get3A_352] : memref<15xf32, #tpu.memory_space<smem>>
    %get3A_354 = arith.constant 12 : index
    %get3A_355 = memref.load %arg6[%get3A_354] : memref<15xf32, #tpu.memory_space<smem>>
    %get3A_356 = arith.constant 13 : index
    %get3A_357 = memref.load %arg6[%get3A_356] : memref<15xf32, #tpu.memory_space<smem>>
    %get3A_358 = arith.constant 14 : index
    %get3A_359 = memref.load %arg6[%get3A_358] : memref<15xf32, #tpu.memory_space<smem>>
    %gt3A_360 = vector.broadcast %get3A_345 : f32 to vector<2048x128xf32>
    %gt3A_361 = arith.cmpf ogt, %add3A_329, %gt3A_360 : vector<2048x128xf32>
    %broadcast_in_dim3A_362 = vector.broadcast %get3A_353 : f32 to vector<2048x128xf32>
    %broadcast_in_dim3A_363 = vector.broadcast %get3A_337 : f32 to vector<2048x128xf32>
    %select_n3A_364 = arith.select %gt3A_361, %broadcast_in_dim3A_362, %broadcast_in_dim3A_363 : vector<2048x128xi1>, vector<2048x128xf32>
    %gt3A_365 = arith.cmpf ogt, %add3A_329, %select_n3A_364 : vector<2048x128xf32>
    %broadcast_in_dim3A_366 = vector.broadcast %get3A_357 : f32 to vector<2048x128xf32>
    %broadcast_in_dim3A_367 = vector.broadcast %get3A_349 : f32 to vector<2048x128xf32>
    %select_n3A_368 = arith.select %gt3A_365, %broadcast_in_dim3A_366, %broadcast_in_dim3A_367 : vector<2048x128xi1>, vector<2048x128xf32>
    %broadcast_in_dim3A_369 = vector.broadcast %get3A_341 : f32 to vector<2048x128xf32>
    %broadcast_in_dim3A_370 = vector.broadcast %get3A_333 : f32 to vector<2048x128xf32>
    %select_n3A_371 = arith.select %gt3A_365, %broadcast_in_dim3A_369, %broadcast_in_dim3A_370 : vector<2048x128xi1>, vector<2048x128xf32>
    %select_n3A_372 = arith.select %gt3A_361, %select_n3A_368, %select_n3A_371 : vector<2048x128xi1>, vector<2048x128xf32>
    %gt3A_373 = arith.cmpf ogt, %add3A_329, %select_n3A_372 : vector<2048x128xf32>
    %broadcast_in_dim3A_374 = vector.broadcast %get3A_359 : f32 to vector<2048x128xf32>
    %broadcast_in_dim3A_375 = vector.broadcast %get3A_355 : f32 to vector<2048x128xf32>
    %select_n3A_376 = arith.select %gt3A_373, %broadcast_in_dim3A_374, %broadcast_in_dim3A_375 : vector<2048x128xi1>, vector<2048x128xf32>
    %broadcast_in_dim3A_377 = vector.broadcast %get3A_351 : f32 to vector<2048x128xf32>
    %broadcast_in_dim3A_378 = vector.broadcast %get3A_347 : f32 to vector<2048x128xf32>
    %select_n3A_379 = arith.select %gt3A_373, %broadcast_in_dim3A_377, %broadcast_in_dim3A_378 : vector<2048x128xi1>, vector<2048x128xf32>
    %select_n3A_380 = arith.select %gt3A_365, %select_n3A_376, %select_n3A_379 : vector<2048x128xi1>, vector<2048x128xf32>
    %broadcast_in_dim3A_381 = vector.broadcast %get3A_343 : f32 to vector<2048x128xf32>
    %broadcast_in_dim3A_382 = vector.broadcast %get3A_339 : f32 to vector<2048x128xf32>
    %select_n3A_383 = arith.select %gt3A_373, %broadcast_in_dim3A_381, %broadcast_in_dim3A_382 : vector<2048x128xi1>, vector<2048x128xf32>
    %broadcast_in_dim3A_384 = vector.broadcast %get3A_335 : f32 to vector<2048x128xf32>
    %broadcast_in_dim3A_385 = vector.broadcast %get3A_331 : f32 to vector<2048x128xf32>
    %select_n3A_386 = arith.select %gt3A_373, %broadcast_in_dim3A_384, %broadcast_in_dim3A_385 : vector<2048x128xi1>, vector<2048x128xf32>
    %select_n3A_387 = arith.select %gt3A_365, %select_n3A_383, %select_n3A_386 : vector<2048x128xi1>, vector<2048x128xf32>
    %select_n3A_388 = arith.select %gt3A_361, %select_n3A_380, %select_n3A_387 : vector<2048x128xi1>, vector<2048x128xf32>
    %gt3A_389 = arith.cmpf ogt, %add3A_329, %select_n3A_388 : vector<2048x128xf32>
    %get3A_390 = arith.constant 0 : index
    %get3A_391 = memref.load %arg5[%get3A_390] : memref<16xf32, #tpu.memory_space<smem>>
    %add3A_392 = arith.constant 0.000000e+00 : f32
    %add3A_393 = arith.addf %add3A_392, %get3A_391 : f32
    %get3A_394 = arith.constant 1 : index
    %get3A_395 = memref.load %arg5[%get3A_394] : memref<16xf32, #tpu.memory_space<smem>>
    %add3A_396 = arith.constant 6.400000e+01 : f32
    %add3A_397 = arith.addf %add3A_396, %get3A_395 : f32
    %get3A_398 = arith.constant 2 : index
    %get3A_399 = memref.load %arg5[%get3A_398] : memref<16xf32, #tpu.memory_space<smem>>
    %add3A_400 = arith.constant 1.280000e+02 : f32
    %add3A_401 = arith.addf %add3A_400, %get3A_399 : f32
    %get3A_402 = arith.constant 3 : index
    %get3A_403 = memref.load %arg5[%get3A_402] : memref<16xf32, #tpu.memory_space<smem>>
    %add3A_404 = arith.constant 1.920000e+02 : f32
    %add3A_405 = arith.addf %add3A_404, %get3A_403 : f32
    %get3A_406 = arith.constant 4 : index
    %get3A_407 = memref.load %arg5[%get3A_406] : memref<16xf32, #tpu.memory_space<smem>>
    %add3A_408 = arith.constant 2.560000e+02 : f32
    %add3A_409 = arith.addf %add3A_408, %get3A_407 : f32
    %get3A_410 = arith.constant 5 : index
    %get3A_411 = memref.load %arg5[%get3A_410] : memref<16xf32, #tpu.memory_space<smem>>
    %add3A_412 = arith.constant 3.200000e+02 : f32
    %add3A_413 = arith.addf %add3A_412, %get3A_411 : f32
    %get3A_414 = arith.constant 6 : index
    %get3A_415 = memref.load %arg5[%get3A_414] : memref<16xf32, #tpu.memory_space<smem>>
    %add3A_416 = arith.constant 3.840000e+02 : f32
    %add3A_417 = arith.addf %add3A_416, %get3A_415 : f32
    %get3A_418 = arith.constant 7 : index
    %get3A_419 = memref.load %arg5[%get3A_418] : memref<16xf32, #tpu.memory_space<smem>>
    %add3A_420 = arith.constant 4.480000e+02 : f32
    %add3A_421 = arith.addf %add3A_420, %get3A_419 : f32
    %get3A_422 = arith.constant 8 : index
    %get3A_423 = memref.load %arg5[%get3A_422] : memref<16xf32, #tpu.memory_space<smem>>
    %add3A_424 = arith.constant 5.120000e+02 : f32
    %add3A_425 = arith.addf %add3A_424, %get3A_423 : f32
    %get3A_426 = arith.constant 9 : index
    %get3A_427 = memref.load %arg5[%get3A_426] : memref<16xf32, #tpu.memory_space<smem>>
    %add3A_428 = arith.constant 5.760000e+02 : f32
    %add3A_429 = arith.addf %add3A_428, %get3A_427 : f32
    %get3A_430 = arith.constant 10 : index
    %get3A_431 = memref.load %arg5[%get3A_430] : memref<16xf32, #tpu.memory_space<smem>>
    %add3A_432 = arith.constant 6.400000e+02 : f32
    %add3A_433 = arith.addf %add3A_432, %get3A_431 : f32
    %get3A_434 = arith.constant 11 : index
    %get3A_435 = memref.load %arg5[%get3A_434] : memref<16xf32, #tpu.memory_space<smem>>
    %add3A_436 = arith.constant 7.040000e+02 : f32
    %add3A_437 = arith.addf %add3A_436, %get3A_435 : f32
    %get3A_438 = arith.constant 12 : index
    %get3A_439 = memref.load %arg5[%get3A_438] : memref<16xf32, #tpu.memory_space<smem>>
    %add3A_440 = arith.constant 7.680000e+02 : f32
    %add3A_441 = arith.addf %add3A_440, %get3A_439 : f32
    %get3A_442 = arith.constant 13 : index
    %get3A_443 = memref.load %arg5[%get3A_442] : memref<16xf32, #tpu.memory_space<smem>>
    %add3A_444 = arith.constant 8.320000e+02 : f32
    %add3A_445 = arith.addf %add3A_444, %get3A_443 : f32
    %get3A_446 = arith.constant 14 : index
    %get3A_447 = memref.load %arg5[%get3A_446] : memref<16xf32, #tpu.memory_space<smem>>
    %add3A_448 = arith.constant 8.960000e+02 : f32
    %add3A_449 = arith.addf %add3A_448, %get3A_447 : f32
    %get3A_450 = arith.constant 15 : index
    %get3A_451 = memref.load %arg5[%get3A_450] : memref<16xf32, #tpu.memory_space<smem>>
    %add3A_452 = arith.constant 9.600000e+02 : f32
    %add3A_453 = arith.addf %add3A_452, %get3A_451 : f32
    %broadcast_in_dim3A_454 = vector.broadcast %add3A_397 : f32 to vector<2048x128xf32>
    %broadcast_in_dim3A_455 = vector.broadcast %add3A_393 : f32 to vector<2048x128xf32>
    %select_n3A_456 = arith.select %gt3A_389, %broadcast_in_dim3A_454, %broadcast_in_dim3A_455 : vector<2048x128xi1>, vector<2048x128xf32>
    %broadcast_in_dim3A_457 = vector.broadcast %add3A_405 : f32 to vector<2048x128xf32>
    %broadcast_in_dim3A_458 = vector.broadcast %add3A_401 : f32 to vector<2048x128xf32>
    %select_n3A_459 = arith.select %gt3A_389, %broadcast_in_dim3A_457, %broadcast_in_dim3A_458 : vector<2048x128xi1>, vector<2048x128xf32>
    %broadcast_in_dim3A_460 = vector.broadcast %add3A_413 : f32 to vector<2048x128xf32>
    %broadcast_in_dim3A_461 = vector.broadcast %add3A_409 : f32 to vector<2048x128xf32>
    %select_n3A_462 = arith.select %gt3A_389, %broadcast_in_dim3A_460, %broadcast_in_dim3A_461 : vector<2048x128xi1>, vector<2048x128xf32>
    %broadcast_in_dim3A_463 = vector.broadcast %add3A_421 : f32 to vector<2048x128xf32>
    %broadcast_in_dim3A_464 = vector.broadcast %add3A_417 : f32 to vector<2048x128xf32>
    %select_n3A_465 = arith.select %gt3A_389, %broadcast_in_dim3A_463, %broadcast_in_dim3A_464 : vector<2048x128xi1>, vector<2048x128xf32>
    %broadcast_in_dim3A_466 = vector.broadcast %add3A_429 : f32 to vector<2048x128xf32>
    %broadcast_in_dim3A_467 = vector.broadcast %add3A_425 : f32 to vector<2048x128xf32>
    %select_n3A_468 = arith.select %gt3A_389, %broadcast_in_dim3A_466, %broadcast_in_dim3A_467 : vector<2048x128xi1>, vector<2048x128xf32>
    %broadcast_in_dim3A_469 = vector.broadcast %add3A_437 : f32 to vector<2048x128xf32>
    %broadcast_in_dim3A_470 = vector.broadcast %add3A_433 : f32 to vector<2048x128xf32>
    %select_n3A_471 = arith.select %gt3A_389, %broadcast_in_dim3A_469, %broadcast_in_dim3A_470 : vector<2048x128xi1>, vector<2048x128xf32>
    %broadcast_in_dim3A_472 = vector.broadcast %add3A_445 : f32 to vector<2048x128xf32>
    %broadcast_in_dim3A_473 = vector.broadcast %add3A_441 : f32 to vector<2048x128xf32>
    %select_n3A_474 = arith.select %gt3A_389, %broadcast_in_dim3A_472, %broadcast_in_dim3A_473 : vector<2048x128xi1>, vector<2048x128xf32>
    %broadcast_in_dim3A_475 = vector.broadcast %add3A_453 : f32 to vector<2048x128xf32>
    %broadcast_in_dim3A_476 = vector.broadcast %add3A_449 : f32 to vector<2048x128xf32>
    %select_n3A_477 = arith.select %gt3A_389, %broadcast_in_dim3A_475, %broadcast_in_dim3A_476 : vector<2048x128xi1>, vector<2048x128xf32>
    %select_n3A_478 = arith.select %gt3A_373, %select_n3A_459, %select_n3A_456 : vector<2048x128xi1>, vector<2048x128xf32>
    %select_n3A_479 = arith.select %gt3A_373, %select_n3A_465, %select_n3A_462 : vector<2048x128xi1>, vector<2048x128xf32>
    %select_n3A_480 = arith.select %gt3A_373, %select_n3A_471, %select_n3A_468 : vector<2048x128xi1>, vector<2048x128xf32>
    %select_n3A_481 = arith.select %gt3A_373, %select_n3A_477, %select_n3A_474 : vector<2048x128xi1>, vector<2048x128xf32>
    %select_n3A_482 = arith.select %gt3A_365, %select_n3A_479, %select_n3A_478 : vector<2048x128xi1>, vector<2048x128xf32>
    %select_n3A_483 = arith.select %gt3A_365, %select_n3A_481, %select_n3A_480 : vector<2048x128xi1>, vector<2048x128xf32>
    %select_n3A_484 = arith.select %gt3A_361, %select_n3A_483, %select_n3A_482 : vector<2048x128xi1>, vector<2048x128xf32>
    %mul3A_485 = arith.constant 1.562500e-02 : f32
    %mul3A_486 = vector.broadcast %mul3A_485 : f32 to vector<2048x128xf32>
    %mul3A_487 = arith.mulf %select_n3A_484, %mul3A_486 : vector<2048x128xf32>
    %round3A_488 = math.roundeven %mul3A_487 : vector<2048x128xf32>
    %mul3A_489 = arith.constant 6.400000e+01 : f32
    %mul3A_490 = vector.broadcast %mul3A_489 : f32 to vector<2048x128xf32>
    %mul3A_491 = arith.mulf %round3A_488, %mul3A_490 : vector<2048x128xf32>
    %sub3A_492 = arith.subf %select_n3A_484, %mul3A_491 : vector<2048x128xf32>
    %convert_element_type3A_493 = arith.truncf %sub3A_492 : vector<2048x128xf32> to vector<2048x128xbf16>
    %dot_general3A_494 = arith.constant dense<0.000000e+00> : vector<2048x128xf32>
    %dot_general3A_495 = tpu.matmul %convert_element_type3A_493, %get3A_1, %dot_general3A_494 {dimension_numbers = #tpu.dot_dimension_numbers<[1], [0], [0], [1], [0, 0, 1, 1], [], []>, transpose_lhs_hint = false} : vector<2048x128xbf16>, vector<128x128xbf16>, vector<2048x128xf32> -> vector<2048x128xf32>
    %reshape3A_496 = vector.shape_cast %dot_general3A_495 : vector<2048x128xf32> to vector<16x128x128xf32>
    %transpose3A_497 = tpu.transpose %reshape3A_496, [0, 2, 1] : vector<16x128x128xf32> -> vector<16x128x128xf32>
    %reshape3A_498 = vector.shape_cast %transpose3A_497 : vector<16x128x128xf32> to vector<2048x128xf32>
    %convert_element_type3A_499 = arith.truncf %reshape3A_498 : vector<2048x128xf32> to vector<2048x128xbf16>
    %dot_general3A_500 = arith.constant dense<0.000000e+00> : vector<2048x128xf32>
    %dot_general3A_501 = tpu.matmul %convert_element_type3A_499, %get3A_4, %dot_general3A_500 {dimension_numbers = #tpu.dot_dimension_numbers<[1], [0], [0], [1], [0, 0, 1, 1], [], []>, transpose_lhs_hint = false} : vector<2048x128xbf16>, vector<128x128xbf16>, vector<2048x128xf32> -> vector<2048x128xf32>
    %reshape3A_502 = vector.shape_cast %dot_general3A_501 : vector<2048x128xf32> to vector<16x128x128xf32>
    %transpose3A_503 = tpu.transpose %reshape3A_502, [0, 2, 1] : vector<16x128x128xf32> -> vector<16x128x128xf32>
    %reshape3A_504 = vector.shape_cast %transpose3A_503 : vector<16x128x128xf32> to vector<2048x128xf32>
    %reshape3A_505 = vector.shape_cast %reshape3A_504 : vector<2048x128xf32> to vector<256x8x128xf32>
    %mul3A_506 = vector.broadcast %get3A_8 : vector<1x8x128xf32> to vector<256x8x128xf32>
    %mul3A_507 = arith.mulf %reshape3A_505, %mul3A_506 : vector<256x8x128xf32>
    %convert_element_type3A_508 = arith.fptosi %round3A_488 : vector<2048x128xf32> to vector<2048x128xi32>
    %reshape3A_509 = vector.shape_cast %convert_element_type3A_508 : vector<2048x128xi32> to vector<256x8x128xi32>
    %swap3A_510 = arith.constant 256 : index
    %swap3A_511 = arith.constant 0 : index
    %swap3A_512 = arith.constant 0 : index
    %swap3A_513 = vector.load %arg7[%swap3A_510, %swap3A_511, %swap3A_512] : memref<512x8x128xf32, #tpu.memory_space<vmem>>, vector<256x8x128xf32>
    tpu.vector_store %arg7[%swap3A_510, %swap3A_511, %swap3A_512], %mul3A_507 {strides = array<i32>} : memref<512x8x128xf32, #tpu.memory_space<vmem>>, vector<256x8x128xf32>,
    %swap3A_514 = arith.constant 256 : index
    %swap3A_515 = arith.constant 0 : index
    %swap3A_516 = arith.constant 0 : index
    %swap3A_517 = vector.load %arg8[%swap3A_514, %swap3A_515, %swap3A_516] : memref<512x8x128xi32, #tpu.memory_space<vmem>>, vector<256x8x128xi32>
    tpu.vector_store %arg8[%swap3A_514, %swap3A_515, %swap3A_516], %reshape3A_509 {strides = array<i32>} : memref<512x8x128xi32, #tpu.memory_space<vmem>>, vector<256x8x128xi32>,
    return
  }
  func.func @transform_0(%arg0: i32) -> (i32, i32, i32) {
    %c0_i32 = arith.constant 0 : i32
    %c0_i32_0 = arith.constant 0 : i32
    %c0_i32_1 = arith.constant 0 : i32
    return %arg0, %c0_i32, %c0_i32_0 : i32, i32, i32
  }
  func.func @transform_1(%arg0: i32) -> (i32, i32, i32) {
    %c0_i32 = arith.constant 0 : i32
    %c0_i32_0 = arith.constant 0 : i32
    %c0_i32_1 = arith.constant 0 : i32
    %c0_i32_2 = arith.constant 0 : i32
    return %c0_i32, %c0_i32_0, %c0_i32_1 : i32, i32, i32
  }
  func.func @transform_2(%arg0: i32) -> (i32, i32) {
    %c0_i32 = arith.constant 0 : i32
    %c0_i32_0 = arith.constant 0 : i32
    %c0_i32_1 = arith.constant 0 : i32
    return %c0_i32, %c0_i32_0 : i32, i32
  }
  func.func @transform_3(%arg0: i32) -> (i32, i32) {
    %c0_i32 = arith.constant 0 : i32
    %c0_i32_0 = arith.constant 0 : i32
    %c0_i32_1 = arith.constant 0 : i32
    return %c0_i32, %c0_i32_0 : i32, i32
  }
  func.func @transform_4(%arg0: i32) -> i32 {
    %c0_i32 = arith.constant 0 : i32
    %c0_i32_0 = arith.constant 0 : i32
    return %c0_i32 : i32
  }
  func.func @transform_5(%arg0: i32) -> i32 {
    %c0_i32 = arith.constant 0 : i32
    %c0_i32_0 = arith.constant 0 : i32
    return %c0_i32 : i32
  }
  func.func @transform_6(%arg0: i32) -> (i32, i32, i32) {
    %c0_i32 = arith.constant 0 : i32
    %c0_i32_0 = arith.constant 0 : i32
    %c0_i32_1 = arith.constant 0 : i32
    return %arg0, %c0_i32, %c0_i32_0 : i32, i32, i32
  }
  func.func @transform_7(%arg0: i32) -> (i32, i32, i32) {
    %c0_i32 = arith.constant 0 : i32
    %c0_i32_0 = arith.constant 0 : i32
    %c0_i32_1 = arith.constant 0 : i32
    return %arg0, %c0_i32, %c0_i32_0 : i32, i32, i32
  }
}

</mosaic_0001>

<sc_bundles>
// kernel: sparse-core-data-format-call.1.cloned.1.call-start
scs
called_computation.1_lowered:
.L_overlay_start_0:
0x0: {  	s2 =	sld [smem:$0x3FD9]  }
0x1: {  	s3 =	sld [smem:$0x3FFE];
	_ =	sdelay $0x1  }
0x2: {  	s1 =	srdreg.scid  }
0x3: {  	s0 =	sand.u32 $0x1, s1  }
0x4: {  	s16 =	sshll.u32 s0, $0xA;
	s2 =	sadd.s32 s3, s2  }
0x5: {  	s2 =	sadd.s32 s2, s16  }
0x6: {  	[smem:$0x3FC4] =	sst s2  }
0x7: {  	_ = 	snop  }
0x8: {  	s2 =	sld [smem:$0x3FD0];
	_ =	sdelay $0x2  }
0x9: {  	s17 =	simm.s32 $0xB;
	s4 =	simm.s32 $0x10  }
0xa: {  	[smem:s4], [sflag:s17] =	dma.local [hbm:s2], $0x1  }
0xb: {  	_ =	swait.eq [sflag:s17], $0x1  }
0xc: {  	[sflag:s17] =	ssyncset.done $0x0  }
0xd: {  	[sflag:s17] =	ssyncadd.s32 $0xFFFFFFFF  }
0xe: {  	s18 =	sld [smem:$0x10];
	(tm) =	ssettm $0x1  }
0xf: {  	s19 =	sld [smem:$0x3FFB];
	_ =	sdelay $0x3  }
0x10: {  	_ =	strace s19  }
0x11: {  	s2 =	sld [smem:$0x3FFC];
	_ =	sdelay $0x3  }
0x12: {  	_ =	strace s2  }
0x13: {  	s2 =	sld [smem:$0x3FFD];
	_ =	sdelay $0x3  }
0x14: {  	_ =	strace s2  }
0x15: {  	_ =	strace $0x8FFFFFFF  }
0x16: {  	s20 =	sld [smem:$0x3FDB];
	_ =	sdelay $0x1  }
0x17: {  	s21 =	simm.s32 $_scs_section_size  }
0x18: {  	s5 =	simm.s32 $_size__tile_overlayer_lowered;
	s6 =	simm.s32 $_tile_overlayer_lowered  }
0x19: {  	s7 =	simm.s32 $0x1BFF;
	s22 =	sshll.u32 s6, $0x1;
	s4 =	sadd.s32 s21, s20  }
0x1a: {  	s23 =	simm.s32 $0x0;
	s5 =	sshll.u32 s5, $0x1;
	s6 =	sadd.s32 s22, s4  }
0x1b: {  	[timem:s23], [sflag:s7] =	dma.local [hbm:s6], s5  }
0x1c: {  	_ =	swait.ge [sflag:s7], s5  }
0x1d: {  	s5 =	ssub.s32 $0x0, s5;
	[sflag:s7] =	ssyncset.done $0x0  }
0x1e: {  	[sflag:s7] =	ssyncadd.s32 s5;
	_ =	sdelay $0x1  }
0x1f: {  	s24 =	simm.s32 $0x1B8B  }
0x20: {  	_ =	swait.ge [sflag:s24], $0x1  }
0x21: {  	[sflag:s24] =	ssyncset.done $0x0  }
0x22: {  	[sflag:s24] =	ssyncadd.s32 $0xFFFFFFFF  }
0x23: {  	s5 =	sld [smem:$0x0]  }
0x24: {  	s6 =	sand.u32 $0xFFFFFFFE, s1  }
0x25: {  	p0 =	sne.s32 s1, s6  }
0x26: {  	s6 =	sshll.u32 @p0 s6, $0xE  }
0x27: {  	s6 =	sadd.s32 @p0 $0x11B8D, s6;
	s7 =	sshll.u32 @p0 s5, $0x11  }
0x28: {  	s6 =	sor.u32 @p0 s7, s6  }
0x29: {  	[sflag:s6] =	ssyncadd.remote.s32 @p0 $0x1;
	_ =	sdelay $0x1  }
0x2a: {  	s6 =	simm.s32 @p0 $0x1B8D  }
0x2b: {  	_ =	swait.eq @p0 [sflag:s6], $0x1  }
0x2c: {  	[sflag:s6] =	ssyncadd.s32 @p0 $0xFFFFFFFF  }
0x2d: {  	s7 =	sshll.u32 @!p0 s1, $0xE  }
0x2e: {  	s7 =	sor.u32 @!p0 $0x4000, s7;
	s6 =	simm.s32 @!p0 $0x1B8D  }
0x2f: {  	s5 =	sshll.u32 @!p0 s5, $0x11;
	s7 =	sadd.s32 @!p0 $0x11B8D, s7;
	_ =	swait.eq @!p0 [sflag:s6], $0x1  }
0x30: {  	s5 =	sor.u32 @!p0 s5, s7;
	[sflag:s6] =	ssyncadd.s32 @!p0 $0xFFFFFFFF  }
0x31: {  	s26 =	simm.s32 $0x1B8E;
	s25 =	sld [smem:$0x3FFE];
	[sflag:s5] =	ssyncadd.remote.s32 @!p0 $0x1  }
0x32: {  	s27 =	simm.s32 $execute0_lowered;
	[smem:$0x3FD2] =	sst s26  }
0x33: {  	s6 =	sshll.u32 s27, $0x1;
	_ =	strace $0x8000004C;
	[dreg:$0x1] =	wrdreg $0xFFFFFFFF  }
0x34: {  	s28 =	simm.s32 $_size_execute0_lowered;
	s4 =	sadd.s32 s4, s6;
	[dreg:$0x0] =	wrdreg $0x0  }
0x35: {  	s6 =	sshll.u32 s28, $0x1;
	[dreg:$0x2] =	wrdreg s4  }
0x36: {  	[dreg:$0x3] =	wrdreg s6  }
0x37: {  	[dreg:$0x4] =	wrdreg $0xC0  }
0x38: {  	_ =	task [dreg:s23], $0x5FFFF  }
0x39: {  	[dreg:$0x1] =	wrdreg $0xFFFFFFFF  }
0x3a: {  	[dreg:$0x0] =	wrdreg $0x60  }
0x3b: {  	[dreg:$0x2] =	wrdreg s25  }
0x3c: {  	[dreg:$0x3] =	wrdreg s18  }
0x3d: {  	[dreg:$0x4] =	wrdreg $0xA  }
0x3e: {  	_ =	task.clear_ibuf [dreg:s23], $0x5FFFF;
	_ =	strace $0x9000004C  }
0x3f: {  	s29 =	simm.s32 $0xA;
	_ =	strace $0x8000004E  }
0x40: {  	_ =	swait.ge [sflag:s29], $0x1  }
0x41: {  	[sflag:s29] =	ssyncadd.s32 $0xFFFFFFFF  }
0x42: {  	_ =	strace $0x9000004E  }
0x43: {  	_ =	sfence  }
0x44: {  	s30 =	sld [smem:$0x0];
	_ =	sdelay $0x2  }
0x45: {  	s31 =	sshll.u32 s1, $0xD;
	s1 =	sshrl.u32 s1, $0x2  }
0x46: {  	s4 =	sand.u32 $0x4000, s31;
	s1 =	sadd.s32 s1, s30  }
0x47: {  	s0 =	sor.u32 s4, s0;
	s1 =	sshll.u32 s1, $0x11  }
0x48: {  	s0 =	sor.u32 s1, s0  }
0x49: {  	s0 =	sadd.s32 $0x8F2B, s0  }
0x4a: {  	[sflag:s0] =	ssyncadd.remote.s32 $0x1  }
0x4b: {  	_ =	sfence.sel $0xFFFF  }
0x4c: {  	[dreg:$0x0] =	wrdreg $0xFFFFFFFF;
	(pc) =	sbr.abs _section_cstart, $3  }
0x4d: {  	[dreg:$0x1] =	wrdreg $0xFFFFFFFF  }
0x4e: {  	_ =	task.clear_ibuf [dreg:s23], $0x2FFFF;
	_ =	strace $0x9FFFFFFF  }
0x4f: {  	(tm) =	ssettm $0x7FFFFFFF  }
tec
execute0_lowered:
.L_overlay_start_1:
0x0: {  	(tag) =	ssettag $0x1  }
0x1: {  	s0 =	srdreg.scid  }
0x2: {  	s1 =	sshll.u32 s0, $0x4  }
0x3: {  	s4 =	rddreg [dreg:$0x0];
	s0 =	stileid.u32;
	s1 =	sand.u32 $0x10, s1  }
0x4: {  	s2 =	rddreg [dreg:$0x1];
	s7 =	simm.s32 $0x1;
	s1 =	sor.u32 s0, s1  }
0x5: {  	s8 =	simm.s32 $0x2;
	s9 =	simm.s32 $0x0;
	s3 =	sshll.u32 s1, $0x1  }
0x6: {  	s12 =	simm.s32 $0x0;
	s11 =	simm.s32 $0x0;
	s6 =	ssub.s32 $0x1000, s3  }
.Ltmp0:
0x7: {  	s4 =	sadd.s32 $0x401800, s4;
	s5 =	sand.u32 $0x3E, s6;
	(pc) =	sbr.rel .LBB1_1-.Ltmp0, $4  }
0x8: {  	s1 =	rddreg [dreg:$0x2];
	_ =	strace $0x8000004D;
	p0 =	sne.s32 s5, $0x0  }
0x9: {  	s6 =	sshrl.u32 s6, $0x6;
	s5 =	simm.s32 $0x1;
	s7 =	simm.s32 @!p0 $0x0  }
0xa: {  	s10 =	smov.u32 s3;
	[sflag:s5] =	ssyncpa.u1 $0x0;
	s6 =	sadd.s32 s7, s6  }
0xb: {  	[sflag:s8] =	ssyncpa.u1 $0x0;
	s8 =	simm.s32 $0x0;
	s7 =	sadd.s32 $0x1, s6  }
.LBB1_9:
0xc: {  	s14 =	sadd.s32 $0x40, s10  }
0xd: {  	p1 =	sgt.s32 s14, $0xFFF  }
0xe: {  	s14 =	smov.u32 @p1 s3;
	p1 =	sne.s32 s11, s7  }
.Ltmp1:
0xf: {  	p0 =	slt.u32 s11, $0x2;
	(pc) =	sbr.rel @!p1 .LBB1_10-.Ltmp1, $4  }
0x10: {  	s13 =	simm.s32 @!p0 $0x2  }
0x11: {  	s15 =	sadd.s32 $0x1, s11;
	_ =	swait.ge @!p0 [sflag:s13], $0x4000  }
0x12: {  	s12 =	smov.u32 s10;
	s9 =	sadd.s32 $0x4000, s9;
	[sflag:s13] =	ssyncset.done @!p0 $0x0  }
0x13: {  	s11 =	smov.u32 s15;
	s10 =	smov.u32 s14;
	[sflag:s13] =	ssyncadd.s32 @!p0 $0xFFFFC000  }
.LBB1_1:
0x14: {  	p0 =	sge.u32 s11, s6  }
0x15: {  	s13 =	sxor.u32 @!p0 $0xFFFFFFFF, s11  }
0x16: {  	s31 =	sadd.s32 $0xFFFFFFFF, s11;
	s14 =	sshll.u32 @!p0 s10, $0xA;
	s13 =	sshll.u32 @!p0 s13, $0xE  }
0x17: {  	s15 =	simm.s32 @!p0 $0x0;
	s14 =	sadd.s32 @!p0 s4, s14;
	s13 =	sand.u32 @!p0 $0x4000, s13  }
0x18: {  	[tilespmem:s13], [sflag:$0x1] =	stream.linear.gather @!p0 [hbm4b:s14+s15], $0x4000, $0x38;
	[tilespmem:$0x10000] =	vst v63  }
0x19: {  	p0 =	sge.u32 s31, s6  }
.Ltmp2:
0x1a: {  	_ = 	snop;
	(pc) =	sbr.rel @p0 .LBB1_9-.Ltmp2, $1  }
0x1b: {  	_ =	sdelay $0x3  }
0x1c: {  	s13 =	sshll.u32 s9, $0x2  }
0x1d: {  	_ =	swait.ge [sflag:s5], $0x4000;
	s14 =	sshll.u32 s11, $0xE;
	s16 =	simm.s32 $0x0  }
0x1e: {  	p1 =	por $0x1, $0x1;
	s13 =	sand.u32 $0x10000, s13;
	[sflag:s5] =	ssyncset.done $0x0  }
0x1f: {  	s14 =	sand.u32 $0x4000, s14;
	s15 =	sshrl.u32 s13, $0x2;
	[sflag:s5] =	ssyncadd.s32 $0xFFFFC000  }
0x20: {  	s13 =	sor.u32 $0x8000, s14;
	s14 =	sadd.s32 $0x8040, s15;
	s15 =	sadd.s32 $0x40, s15  }
.LBB1_3:
0x21: {  	s16 =	sshll.u32 s16, $0x2  }
0x22: {  	p0 =	por p1, p1;
	s17 =	sshra.s32 s16, $0x2  }
0x23: {  	s18 =	simm.s32 $0x0;
	s16 =	sadd.s32 s17, s14;
	s17 =	sadd.s32 s17, s15  }
.LBB1_4:
0x24: {  	v0 =	vmov s17;
	_ =	sdelay $0x3  }
0x25: {  	s20 =	simm.s32 $0x0  }
0x26: {  	v6 =	vld.idx.msk [tilespmem:v0+s20+$0x30 ss:$0x1], $0xffff  }
0x27: {  	v7 =	vld.idx.msk [tilespmem:v0+s20+$0xFFFFFFC0 ss:$0x1], $0xffff  }
0x28: {  	v5 =	vld.idx.msk [tilespmem:v0+s20+$0xFFFFFFD0 ss:$0x1], $0xffff  }
0x29: {  	v4 =	vld.idx.msk [tilespmem:v0+s20+$0xFFFFFFE0 ss:$0x1], $0xffff  }
0x2a: {  	v3 =	vld.idx.msk [tilespmem:v0+s20+$0xFFFFFFF0 ss:$0x1], $0xffff  }
0x2b: {  	v1 =	vld.idx.msk [tilespmem:v0+s20+$0x0 ss:$0x1], $0xffff  }
0x2c: {  	v2 =	vld.idx.msk [tilespmem:v0+s20+$0x10 ss:$0x1], $0xffff;
	[tilespmem:s16+$0x30] =	vst v6  }
0x2d: {  	s19 =	simm.s32 $0x80;
	s21 =	simm.s32 $0x400;
	[tilespmem:s16+$0xFFFFFFC0] =	vst v7;
	v6 =	vld.idx.msk [tilespmem:v0+s20+$0x20 ss:$0x1], $0xffff;
	s20 =	smov.u32 s16  }
.LBB1_5:
0x2e: {  	p1 =	sne.s32 s21, $0xE00;
	v7 =	vld.idx.msk [tilespmem:v0+s19+$0x30 ss:$0x1], $0xffff;
	[tilespmem:s20+$0xFFFFFFD0] =	vst v5  }
0x2f: {  	v8 =	vld.idx.msk [tilespmem:v0+s19+$0xFFFFFFC0 ss:$0x1], $0xffff;
	[tilespmem:s20+$0xFFFFFFE0] =	vst v4  }
0x30: {  	v5 =	vld.idx.msk [tilespmem:v0+s19+$0xFFFFFFD0 ss:$0x1], $0xffff;
	[tilespmem:s20+$0xFFFFFFF0] =	vst v3  }
.Ltmp3:
0x31: {  	v4 =	vld.idx.msk [tilespmem:v0+s19+$0xFFFFFFE0 ss:$0x1], $0xffff;
	[tilespmem:s20+$0x0] =	vst v1;
	(pc) =	sbr.rel @p1 .LBB1_5-.Ltmp3, $4  }
0x32: {  	v3 =	vld.idx.msk [tilespmem:v0+s19+$0xFFFFFFF0 ss:$0x1], $0xffff;
	[tilespmem:s20+$0x10] =	vst v2  }
0x33: {  	v1 =	vld.idx.msk [tilespmem:v0+s19+$0x0 ss:$0x1], $0xffff;
	[tilespmem:s20+$0x20] =	vst v6;
	s20 =	sadd.s32 $0x400, s20  }
0x34: {  	v2 =	vld.idx.msk [tilespmem:v0+s19+$0x10 ss:$0x1], $0xffff;
	[tilespmem:s20+$0x30] =	vst v7  }
0x35: {  	[tilespmem:s20+$0xFFFFFFC0] =	vst v8;
	v6 =	vld.idx.msk [tilespmem:v0+s19+$0x20 ss:$0x1], $0xffff;
	s19 =	sshra.s32 s21, $0x2;
	s21 =	sadd.s32 $0x200, s21  }
0x36: {  	_ =	sdelay $0x2  }
0x37: {  	[tilespmem:s20+$0xFFFFFFD0] =	vst v5  }
0x38: {  	v56 =	vld.idx.msk [tilespmem:v0+s19+$0x30 ss:$0x1], $0xffff;
	[tilespmem:s20+$0xFFFFFFE0] =	vst v4  }
0x39: {  	v57 =	vld.idx.msk [tilespmem:v0+s19+$0xFFFFFFC0 ss:$0x1], $0xffff;
	[tilespmem:s20+$0xFFFFFFF0] =	vst v3  }
0x3a: {  	v58 =	vld.idx.msk [tilespmem:v0+s19+$0xFFFFFFD0 ss:$0x1], $0xffff;
	[tilespmem:s20+$0x0] =	vst v1  }
0x3b: {  	v59 =	vld.idx.msk [tilespmem:v0+s19+$0xFFFFFFE0 ss:$0x1], $0xffff;
	[tilespmem:s20+$0x10] =	vst v2  }
0x3c: {  	v60 =	vld.idx.msk [tilespmem:v0+s19+$0xFFFFFFF0 ss:$0x1], $0xffff;
	s31 =	sadd.s32 $0x400, s20;
	[tilespmem:s20+$0x20] =	vst v6  }
0x3d: {  	v61 =	vld.idx.msk [tilespmem:v0+s19+$0x0 ss:$0x1], $0xffff;
	[tilespmem:s31+$0x30] =	vst v56  }
0x3e: {  	v62 =	vld.idx.msk [tilespmem:v0+s19+$0x10 ss:$0x1], $0xffff;
	s18 =	sadd.s32 $0x1, s18;
	[tilespmem:s31+$0xFFFFFFC0] =	vst v57  }
0x3f: {  	v63 =	vld.idx.msk [tilespmem:v0+s19+$0x20 ss:$0x1], $0xffff;
	p1 =	sne.s32 s18, $0x8;
	[tilespmem:s31+$0xFFFFFFD0] =	vst v58  }
.Ltmp4:
0x40: {  	[tilespmem:s31+$0xFFFFFFE0] =	vst v59;
	(pc) =	sbr.rel @p1 .LBB1_4-.Ltmp4, $4  }
0x41: {  	[tilespmem:s31+$0xFFFFFFF0] =	vst v60  }
0x42: {  	[tilespmem:s31+$0x0] =	vst v61  }
0x43: {  	[tilespmem:s31+$0x10] =	vst v62  }
0x44: {  	s16 =	sadd.s32 $0x80, s16;
	s17 =	sadd.s32 $0x400, s17;
	[tilespmem:s31+$0x20] =	vst v63  }
.Ltmp5:
0x45: {  	(pc) =	sbr.rel @p0 .LBB1_3-.Ltmp5, $2  }
0x46: {  	_ =	sdelay $0x2  }
0x47: {  	s16 =	simm.s32 $0x2000;
	p1 =	por $0x0, $0x0  }
.Ltmp6:
0x48: {  	(pc) =	sbr.rel .LBB1_9-.Ltmp6, $4  }
0x49: {  	_ = 	snop  }
0x4a: {  	s12 =	sshll.u32 s12, $0xA  }
0x4b: {  	s12 =	sadd.s32 s2, s12  }
0x4c: {  	[hbm4b:s12+s8] =	stream.linear.scatter [tilespmem:s13], [sflag:$0x2], $0x4000, $0x38;
	[tilespmem:$0x10000] =	vst v63  }
.LBB1_10:
0x4d: {  	_ =	sfence.sel $0x180000  }
0x4e: {  	s2 =	simm.s32 $0x1;
	[bflag:$0x0] =	sbarrier.arrive $0xFFFF  }
0x4f: {  	s31 =	simm.s32 $0x2;
	[sflag:s2] =	ssyncpa.u1 $0x1  }
0x50: {  	[sflag:s31] =	ssyncpa.u1 $0x1  }
0x51: {  	p0 =	sne.s32 s0, $0x0;
	_ =	strace $0x9000004D  }
0x52: {  	s0 =	sadd.s32 @!p0 $0x100000, s1;
	[bflag:$0x2] =	sbarrier.arrive $0xFFFF  }
0x53: {  	[sflag:s0] =	ssyncadd.tile.s32 @!p0 $0x1;
	_ =	shalt  }
.Lfunc_end1:
_tile_overlayer_lowered:
.L_overlay_start_2:
0x54: {  	(tag) =	ssettag $0x2  }
0x55: {  	s0 =	rddreg [dreg:$0x0];
	s2 =	stileid.u32  }
0x56: {  	s1 =	rddreg [dreg:$0x1];
	p0 =	sne.s32 s2, $0x0  }
0x57: {  	s3 =	rddreg [dreg:$0x2];
	[bflag:$0x3] =	sbarrier.arrive $0xFFFF;
	s2 =	simm.s32 @!p0 $0x1C01  }
0x58: {  	[timem:s3], [sflag:s2] =	dma.local @!p0 [hbm:s0], s1  }
0x59: {  	s0 =	simm.s32 @!p0 $0x1  }
0x5a: {  	_ =	swait.ge @!p0 [sflag:s0], s1  }
0x5b: {  	s1 =	ssub.s32 @!p0 $0x0, s1;
	[sflag:s0] =	ssyncset.done @!p0 $0x0  }
0x5c: {  	[sflag:s0] =	ssyncadd.s32 @!p0 s1  }
0x5d: {  	[bflag:$0x3] =	sbarrier.arrive $0xFFFF  }
0x5e: {  	_ =	shalt  }

// kernel: sparse-core-data-format-call.2.cloned.1.call-start
scs
called_computation.2_lowered:
.L_overlay_start_0:
0x0: {  	s2 =	sld [smem:$0x3FD9]  }
0x1: {  	s3 =	sld [smem:$0x3FFE];
	_ =	sdelay $0x1  }
0x2: {  	s1 =	srdreg.scid  }
0x3: {  	s0 =	sand.u32 $0x1, s1  }
0x4: {  	s16 =	sshll.u32 s0, $0xA;
	s2 =	sadd.s32 s3, s2  }
0x5: {  	s2 =	sadd.s32 s2, s16  }
0x6: {  	[smem:$0x3FC4] =	sst s2  }
0x7: {  	_ = 	snop  }
0x8: {  	s2 =	sld [smem:$0x3FD0];
	_ =	sdelay $0x2  }
0x9: {  	s4 =	simm.s32 $0xB;
	s5 =	simm.s32 $0x10;
	s17 =	sld [smem:$0x3FC9]  }
0xa: {  	[smem:s5], [sflag:s4] =	dma.local [hbm:s2], $0x1  }
0xb: {  	_ =	swait.eq [sflag:s4], $0x1  }
0xc: {  	[sflag:s4] =	ssyncset.done $0x0  }
0xd: {  	[sflag:s4] =	ssyncadd.s32 $0xFFFFFFFF  }
0xe: {  	s18 =	sld [smem:$0x11];
	(tm) =	ssettm $0x1  }
0xf: {  	s19 =	sld [smem:$0x3FFB];
	_ =	sdelay $0x3  }
0x10: {  	_ =	strace s19  }
0x11: {  	s4 =	sld [smem:$0x3FFC];
	_ =	sdelay $0x3  }
0x12: {  	_ =	strace s4  }
0x13: {  	s4 =	sld [smem:$0x3FFD];
	_ =	sdelay $0x3  }
0x14: {  	_ =	strace s4  }
0x15: {  	_ =	strace $0x8FFFFFFF  }
0x16: {  	s20 =	sld [smem:$0x3FDB];
	_ =	sdelay $0x1  }
0x17: {  	s21 =	simm.s32 $_scs_section_size  }
0x18: {  	s6 =	simm.s32 $_size__tile_overlayer_lowered;
	s7 =	simm.s32 $_tile_overlayer_lowered  }
0x19: {  	s24 =	simm.s32 $0x1BFF;
	s23 =	sshll.u32 s7, $0x1;
	s4 =	sadd.s32 s21, s20  }
0x1a: {  	s8 =	simm.s32 $0x0;
	s22 =	sshll.u32 s6, $0x1;
	s6 =	sadd.s32 s23, s4  }
0x1b: {  	[timem:s8], [sflag:s24] =	dma.local [hbm:s6], s22  }
0x1c: {  	_ =	swait.ge [sflag:s24], s22  }
0x1d: {  	s5 =	ssub.s32 $0x0, s22;
	[sflag:s24] =	ssyncset.done $0x0  }
0x1e: {  	[sflag:s24] =	ssyncadd.s32 s5;
	_ =	sdelay $0x1  }
0x1f: {  	s25 =	simm.s32 $0x1B8B  }
0x20: {  	_ =	swait.ge [sflag:s25], $0x1  }
0x21: {  	[sflag:s25] =	ssyncset.done $0x0  }
0x22: {  	s26 =	simm.s32 $0x1B8E;
	[sflag:s25] =	ssyncadd.s32 $0xFFFFFFFF  }
0x23: {  	s27 =	simm.s32 $execute0_lowered;
	[smem:$0x3FD2] =	sst s26  }
0x24: {  	s5 =	sshll.u32 s27, $0x1;
	_ =	strace $0x80000046;
	[dreg:$0x1] =	wrdreg $0xFFFFFFFF  }
0x25: {  	s28 =	simm.s32 $_size_execute0_lowered;
	s4 =	sadd.s32 s4, s5;
	[dreg:$0x0] =	wrdreg $0x0  }
0x26: {  	s5 =	sshll.u32 s28, $0x1;
	[dreg:$0x2] =	wrdreg s4  }
0x27: {  	[dreg:$0x3] =	wrdreg s5  }
0x28: {  	[dreg:$0x4] =	wrdreg $0xC0  }
0x29: {  	_ =	task [dreg:s8], $0x5FFFF  }
0x2a: {  	[dreg:$0x1] =	wrdreg $0xFFFFFFFF  }
0x2b: {  	[dreg:$0x0] =	wrdreg $0x60  }
0x2c: {  	[dreg:$0x2] =	wrdreg s17  }
0x2d: {  	[dreg:$0x3] =	wrdreg s18  }
0x2e: {  	[dreg:$0x4] =	wrdreg $0x9  }
0x2f: {  	_ =	task.clear_ibuf [dreg:s8], $0x5FFFF;
	_ =	strace $0x90000046  }
0x30: {  	s29 =	simm.s32 $0x9;
	_ =	strace $0x80000048  }
0x31: {  	_ =	swait.ge [sflag:s29], $0x1  }
0x32: {  	[sflag:s29] =	ssyncadd.s32 $0xFFFFFFFF  }
0x33: {  	_ =	strace $0x90000048  }
0x34: {  	_ =	sfence  }
0x35: {  	s30 =	sld [smem:$0x0];
	_ =	sdelay $0x2  }
0x36: {  	s31 =	sshll.u32 s1, $0xD;
	s1 =	sshrl.u32 s1, $0x2  }
0x37: {  	s3 =	sand.u32 $0x4000, s31;
	s1 =	sadd.s32 s1, s30  }
0x38: {  	s0 =	sor.u32 s3, s0;
	s1 =	sshll.u32 s1, $0x11  }
0x39: {  	s0 =	sor.u32 s1, s0  }
0x3a: {  	s0 =	sadd.s32 $0x8F2B, s0  }
0x3b: {  	[sflag:s0] =	ssyncadd.remote.s32 $0x1  }
0x3c: {  	_ =	sfence.sel $0xFFFF  }
0x3d: {  	[dreg:$0x0] =	wrdreg $0xFFFFFFFF;
	(pc) =	sbr.abs _section_cstart, $3  }
0x3e: {  	[dreg:$0x1] =	wrdreg $0xFFFFFFFF  }
0x3f: {  	_ =	task.clear_ibuf [dreg:s8], $0x2FFFF;
	_ =	strace $0x9FFFFFFF  }
0x40: {  	(tm) =	ssettm $0x7FFFFFFF  }
0x41: {  	_ =	shalt  }
tec
execute0_lowered:
.L_overlay_start_1:
0x0: {  	(tag) =	ssettag $0x1  }
0x1: {  	s0 =	srdreg.scid  }
0x2: {  	s1 =	sshll.u32 s0, $0x4  }
0x3: {  	s2 =	rddreg [dreg:$0x0];
	s0 =	stileid.u32;
	s1 =	sand.u32 $0x10, s1  }
0x4: {  	s4 =	rddreg [dreg:$0x1];
	s1 =	sor.u32 s0, s1  }
0x5: {  	s7 =	simm.s32 $0x1;
	s8 =	simm.s32 $0x2;
	s3 =	sshll.u32 s1, $0x1  }
0x6: {  	s9 =	simm.s32 $0x0;
	s12 =	simm.s32 $0x0;
	s6 =	ssub.s32 $0x1000, s3  }
.Ltmp0:
0x7: {  	s11 =	simm.s32 $0x0;
	s5 =	sand.u32 $0x3E, s6;
	(pc) =	sbr.rel .LBB1_1-.Ltmp0, $4  }
0x8: {  	s1 =	rddreg [dreg:$0x2];
	_ =	strace $0x80000047;
	p0 =	sne.s32 s5, $0x0  }
0x9: {  	s6 =	sshrl.u32 s6, $0x6;
	s5 =	simm.s32 $0x1;
	s7 =	simm.s32 @!p0 $0x0  }
0xa: {  	s10 =	smov.u32 s3;
	[sflag:s5] =	ssyncpa.u1 $0x0;
	s6 =	sadd.s32 s7, s6  }
0xb: {  	[sflag:s8] =	ssyncpa.u1 $0x0;
	s8 =	simm.s32 $0x0;
	s7 =	sadd.s32 $0x1, s6  }
.LBB1_9:
0xc: {  	s14 =	sadd.s32 $0x40, s10  }
0xd: {  	p1 =	sgt.s32 s14, $0xFFF  }
0xe: {  	s14 =	smov.u32 @p1 s3;
	p1 =	sne.s32 s11, s7  }
.Ltmp1:
0xf: {  	p0 =	slt.u32 s11, $0x2;
	(pc) =	sbr.rel @!p1 .LBB1_10-.Ltmp1, $4  }
0x10: {  	s13 =	simm.s32 @!p0 $0x2  }
0x11: {  	s15 =	sadd.s32 $0x1, s11;
	_ =	swait.ge @!p0 [sflag:s13], $0x4000  }
0x12: {  	s12 =	smov.u32 s10;
	s9 =	sadd.s32 $0x4000, s9;
	[sflag:s13] =	ssyncset.done @!p0 $0x0  }
0x13: {  	s11 =	smov.u32 s15;
	s10 =	smov.u32 s14;
	[sflag:s13] =	ssyncadd.s32 @!p0 $0xFFFFC000  }
.LBB1_1:
0x14: {  	p0 =	sge.u32 s11, s6  }
0x15: {  	s13 =	sxor.u32 @!p0 $0xFFFFFFFF, s11  }
0x16: {  	s31 =	sadd.s32 $0xFFFFFFFF, s11;
	s14 =	sshll.u32 @!p0 s10, $0xA;
	s13 =	sshll.u32 @!p0 s13, $0xE  }
0x17: {  	s15 =	simm.s32 @!p0 $0x0;
	s14 =	sadd.s32 @!p0 s2, s14;
	s13 =	sand.u32 @!p0 $0x4000, s13  }
0x18: {  	[tilespmem:s13], [sflag:$0x1] =	stream.linear.gather @!p0 [hbm4b:s14+s15], $0x4000, $0x38;
	[tilespmem:$0x10000] =	vst v63  }
0x19: {  	p0 =	sge.u32 s31, s6  }
.Ltmp2:
0x1a: {  	_ = 	snop;
	(pc) =	sbr.rel @p0 .LBB1_9-.Ltmp2, $1  }
0x1b: {  	_ =	sdelay $0x3  }
0x1c: {  	s13 =	sshll.u32 s9, $0x2  }
0x1d: {  	_ =	swait.ge [sflag:s5], $0x4000;
	s14 =	sshll.u32 s11, $0xE;
	s16 =	simm.s32 $0x0  }
0x1e: {  	p1 =	por $0x1, $0x1;
	s13 =	sand.u32 $0x10000, s13;
	[sflag:s5] =	ssyncset.done $0x0  }
0x1f: {  	s14 =	sand.u32 $0x4000, s14;
	s15 =	sshrl.u32 s13, $0x2;
	[sflag:s5] =	ssyncadd.s32 $0xFFFFC000  }
0x20: {  	s13 =	sor.u32 $0x8000, s14;
	s14 =	sadd.s32 $0x8040, s15;
	s15 =	sadd.s32 $0x40, s15  }
.LBB1_3:
0x21: {  	s16 =	sshll.u32 s16, $0x2  }
0x22: {  	p0 =	por p1, p1;
	s17 =	sshra.s32 s16, $0x2  }
0x23: {  	s18 =	simm.s32 $0x0;
	s16 =	sadd.s32 s17, s14;
	s17 =	sadd.s32 s17, s15  }
.LBB1_4:
0x24: {  	v0 =	vmov s17;
	_ =	sdelay $0x3  }
0x25: {  	s20 =	simm.s32 $0x0  }
0x26: {  	v6 =	vld.idx.msk [tilespmem:v0+s20+$0x30 ss:$0x1], $0xffff  }
0x27: {  	v7 =	vld.idx.msk [tilespmem:v0+s20+$0xFFFFFFC0 ss:$0x1], $0xffff  }
0x28: {  	v5 =	vld.idx.msk [tilespmem:v0+s20+$0xFFFFFFD0 ss:$0x1], $0xffff  }
0x29: {  	v4 =	vld.idx.msk [tilespmem:v0+s20+$0xFFFFFFE0 ss:$0x1], $0xffff  }
0x2a: {  	v3 =	vld.idx.msk [tilespmem:v0+s20+$0xFFFFFFF0 ss:$0x1], $0xffff  }
0x2b: {  	v1 =	vld.idx.msk [tilespmem:v0+s20+$0x0 ss:$0x1], $0xffff  }
0x2c: {  	v2 =	vld.idx.msk [tilespmem:v0+s20+$0x10 ss:$0x1], $0xffff;
	[tilespmem:s16+$0x30] =	vst v6  }
0x2d: {  	s19 =	simm.s32 $0x80;
	s21 =	simm.s32 $0x400;
	[tilespmem:s16+$0xFFFFFFC0] =	vst v7;
	v6 =	vld.idx.msk [tilespmem:v0+s20+$0x20 ss:$0x1], $0xffff;
	s20 =	smov.u32 s16  }
.LBB1_5:
0x2e: {  	p1 =	sne.s32 s21, $0xE00;
	v7 =	vld.idx.msk [tilespmem:v0+s19+$0x30 ss:$0x1], $0xffff;
	[tilespmem:s20+$0xFFFFFFD0] =	vst v5  }
0x2f: {  	v8 =	vld.idx.msk [tilespmem:v0+s19+$0xFFFFFFC0 ss:$0x1], $0xffff;
	[tilespmem:s20+$0xFFFFFFE0] =	vst v4  }
0x30: {  	v5 =	vld.idx.msk [tilespmem:v0+s19+$0xFFFFFFD0 ss:$0x1], $0xffff;
	[tilespmem:s20+$0xFFFFFFF0] =	vst v3  }
.Ltmp3:
0x31: {  	v4 =	vld.idx.msk [tilespmem:v0+s19+$0xFFFFFFE0 ss:$0x1], $0xffff;
	[tilespmem:s20+$0x0] =	vst v1;
	(pc) =	sbr.rel @p1 .LBB1_5-.Ltmp3, $4  }
0x32: {  	v3 =	vld.idx.msk [tilespmem:v0+s19+$0xFFFFFFF0 ss:$0x1], $0xffff;
	[tilespmem:s20+$0x10] =	vst v2  }
0x33: {  	v1 =	vld.idx.msk [tilespmem:v0+s19+$0x0 ss:$0x1], $0xffff;
	[tilespmem:s20+$0x20] =	vst v6;
	s20 =	sadd.s32 $0x400, s20  }
0x34: {  	v2 =	vld.idx.msk [tilespmem:v0+s19+$0x10 ss:$0x1], $0xffff;
	[tilespmem:s20+$0x30] =	vst v7  }
0x35: {  	[tilespmem:s20+$0xFFFFFFC0] =	vst v8;
	v6 =	vld.idx.msk [tilespmem:v0+s19+$0x20 ss:$0x1], $0xffff;
	s19 =	sshra.s32 s21, $0x2;
	s21 =	sadd.s32 $0x200, s21  }
0x36: {  	_ =	sdelay $0x2  }
0x37: {  	[tilespmem:s20+$0xFFFFFFD0] =	vst v5  }
0x38: {  	v56 =	vld.idx.msk [tilespmem:v0+s19+$0x30 ss:$0x1], $0xffff;
	[tilespmem:s20+$0xFFFFFFE0] =	vst v4  }
0x39: {  	v57 =	vld.idx.msk [tilespmem:v0+s19+$0xFFFFFFC0 ss:$0x1], $0xffff;
	[tilespmem:s20+$0xFFFFFFF0] =	vst v3  }
0x3a: {  	v58 =	vld.idx.msk [tilespmem:v0+s19+$0xFFFFFFD0 ss:$0x1], $0xffff;
	[tilespmem:s20+$0x0] =	vst v1  }
0x3b: {  	v59 =	vld.idx.msk [tilespmem:v0+s19+$0xFFFFFFE0 ss:$0x1], $0xffff;
	[tilespmem:s20+$0x10] =	vst v2  }
0x3c: {  	v60 =	vld.idx.msk [tilespmem:v0+s19+$0xFFFFFFF0 ss:$0x1], $0xffff;
	s31 =	sadd.s32 $0x400, s20;
	[tilespmem:s20+$0x20] =	vst v6  }
0x3d: {  	v61 =	vld.idx.msk [tilespmem:v0+s19+$0x0 ss:$0x1], $0xffff;
	[tilespmem:s31+$0x30] =	vst v56  }
0x3e: {  	v62 =	vld.idx.msk [tilespmem:v0+s19+$0x10 ss:$0x1], $0xffff;
	s18 =	sadd.s32 $0x1, s18;
	[tilespmem:s31+$0xFFFFFFC0] =	vst v57  }
0x3f: {  	v63 =	vld.idx.msk [tilespmem:v0+s19+$0x20 ss:$0x1], $0xffff;
	p1 =	sne.s32 s18, $0x8;
	[tilespmem:s31+$0xFFFFFFD0] =	vst v58  }
.Ltmp4:
0x40: {  	[tilespmem:s31+$0xFFFFFFE0] =	vst v59;
	(pc) =	sbr.rel @p1 .LBB1_4-.Ltmp4, $4  }
0x41: {  	[tilespmem:s31+$0xFFFFFFF0] =	vst v60  }
0x42: {  	[tilespmem:s31+$0x0] =	vst v61  }
0x43: {  	[tilespmem:s31+$0x10] =	vst v62  }
0x44: {  	s16 =	sadd.s32 $0x80, s16;
	s17 =	sadd.s32 $0x400, s17;
	[tilespmem:s31+$0x20] =	vst v63  }
.Ltmp5:
0x45: {  	(pc) =	sbr.rel @p0 .LBB1_3-.Ltmp5, $2  }
0x46: {  	_ =	sdelay $0x2  }
0x47: {  	s16 =	simm.s32 $0x2000;
	p1 =	por $0x0, $0x0  }
.Ltmp6:
0x48: {  	(pc) =	sbr.rel .LBB1_9-.Ltmp6, $4  }
0x49: {  	_ = 	snop  }
0x4a: {  	s12 =	sshll.u32 s12, $0xA  }
0x4b: {  	s12 =	sadd.s32 s4, s12  }
0x4c: {  	[hbm4b:s12+s8] =	stream.linear.scatter [tilespmem:s13], [sflag:$0x2], $0x4000, $0x38;
	[tilespmem:$0x10000] =	vst v63  }
.LBB1_10:
0x4d: {  	_ =	sfence.sel $0x180000  }
0x4e: {  	s2 =	simm.s32 $0x1;
	[bflag:$0x0] =	sbarrier.arrive $0xFFFF  }
0x4f: {  	s31 =	simm.s32 $0x2;
	[sflag:s2] =	ssyncpa.u1 $0x1  }
0x50: {  	[sflag:s31] =	ssyncpa.u1 $0x1  }
0x51: {  	p0 =	sne.s32 s0, $0x0;
	_ =	strace $0x90000047  }
0x52: {  	s0 =	sadd.s32 @!p0 $0x100000, s1;
	[bflag:$0x2] =	sbarrier.arrive $0xFFFF  }
0x53: {  	[sflag:s0] =	ssyncadd.tile.s32 @!p0 $0x1;
	_ =	shalt  }
.Lfunc_end1:
_tile_overlayer_lowered:
.L_overlay_start_2:
0x54: {  	(tag) =	ssettag $0x2  }
0x55: {  	s0 =	rddreg [dreg:$0x0];
	s2 =	stileid.u32  }
0x56: {  	s1 =	rddreg [dreg:$0x1];
	p0 =	sne.s32 s2, $0x0  }
0x57: {  	s3 =	rddreg [dreg:$0x2];
	[bflag:$0x3] =	sbarrier.arrive $0xFFFF;
	s2 =	simm.s32 @!p0 $0x1C01  }
0x58: {  	[timem:s3], [sflag:s2] =	dma.local @!p0 [hbm:s0], s1  }
0x59: {  	s0 =	simm.s32 @!p0 $0x1  }
0x5a: {  	_ =	swait.ge @!p0 [sflag:s0], s1  }
0x5b: {  	s1 =	ssub.s32 @!p0 $0x0, s1;
	[sflag:s0] =	ssyncset.done @!p0 $0x0  }
0x5c: {  	[sflag:s0] =	ssyncadd.s32 @!p0 s1  }
0x5d: {  	[bflag:$0x3] =	sbarrier.arrive $0xFFFF  }
0x5e: {  	_ =	shalt  }

// kernel: sparse-core-data-format-call.cloned.1.call-start
scs
called_computation_lowered:
.L_overlay_start_0:
0x0: {  	s2 =	sld [smem:$0x3FD9]  }
0x1: {  	s3 =	sld [smem:$0x3FFE];
	_ =	sdelay $0x1  }
0x2: {  	s1 =	srdreg.scid  }
0x3: {  	s0 =	sand.u32 $0x1, s1  }
0x4: {  	s15 =	sshll.u32 s0, $0xA;
	s2 =	sadd.s32 s3, s2  }
0x5: {  	s2 =	sadd.s32 s2, s15  }
0x6: {  	[smem:$0x3FC4] =	sst s2  }
0x7: {  	_ = 	snop  }
0x8: {  	s2 =	sld [smem:$0x3FD0];
	_ =	sdelay $0x2  }
0x9: {  	s16 =	simm.s32 $0xB;
	s4 =	simm.s32 $0x10  }
0xa: {  	[smem:s4], [sflag:s16] =	dma.local [hbm:s2], $0x1  }
0xb: {  	_ =	swait.eq [sflag:s16], $0x1  }
0xc: {  	[sflag:s16] =	ssyncset.done $0x0  }
0xd: {  	[sflag:s16] =	ssyncadd.s32 $0xFFFFFFFF  }
0xe: {  	s17 =	sld [smem:$0x11];
	(tm) =	ssettm $0x1  }
0xf: {  	s18 =	sld [smem:$0x3FFB];
	_ =	sdelay $0x3  }
0x10: {  	_ =	strace s18  }
0x11: {  	s3 =	sld [smem:$0x3FFC];
	_ =	sdelay $0x3  }
0x12: {  	_ =	strace s3  }
0x13: {  	s3 =	sld [smem:$0x3FFD];
	_ =	sdelay $0x3  }
0x14: {  	_ =	strace s3  }
0x15: {  	_ =	strace $0x8FFFFFFF  }
0x16: {  	s19 =	sld [smem:$0x3FDB];
	_ =	sdelay $0x1  }
0x17: {  	s20 =	simm.s32 $_scs_section_size  }
0x18: {  	s5 =	simm.s32 $_size__tile_overlayer_lowered;
	s6 =	simm.s32 $_tile_overlayer_lowered  }
0x19: {  	s23 =	simm.s32 $0x1BFF;
	s22 =	sshll.u32 s6, $0x1;
	s3 =	sadd.s32 s20, s19  }
0x1a: {  	s7 =	simm.s32 $0x0;
	s21 =	sshll.u32 s5, $0x1;
	s5 =	sadd.s32 s22, s3  }
0x1b: {  	[timem:s7], [sflag:s23] =	dma.local [hbm:s5], s21  }
0x1c: {  	_ =	swait.ge [sflag:s23], s21  }
0x1d: {  	s4 =	ssub.s32 $0x0, s21;
	[sflag:s23] =	ssyncset.done $0x0  }
0x1e: {  	[sflag:s23] =	ssyncadd.s32 s4;
	_ =	sdelay $0x1  }
0x1f: {  	s24 =	simm.s32 $0x1B8B  }
0x20: {  	_ =	swait.ge [sflag:s24], $0x1  }
0x21: {  	[sflag:s24] =	ssyncset.done $0x0  }
0x22: {  	s26 =	simm.s32 $0x1B8E;
	s25 =	sld [smem:$0x3FFE];
	[sflag:s24] =	ssyncadd.s32 $0xFFFFFFFF  }
0x23: {  	s27 =	simm.s32 $execute0_lowered;
	[smem:$0x3FD2] =	sst s26  }
0x24: {  	s5 =	sshll.u32 s27, $0x1;
	_ =	strace $0x80000049;
	[dreg:$0x1] =	wrdreg $0xFFFFFFFF  }
0x25: {  	s28 =	simm.s32 $_size_execute0_lowered;
	s3 =	sadd.s32 s3, s5;
	[dreg:$0x0] =	wrdreg $0x0  }
0x26: {  	s5 =	sshll.u32 s28, $0x1;
	[dreg:$0x2] =	wrdreg s3  }
0x27: {  	[dreg:$0x3] =	wrdreg s5  }
0x28: {  	[dreg:$0x4] =	wrdreg $0xC0  }
0x29: {  	_ =	task [dreg:s7], $0x5FFFF  }
0x2a: {  	[dreg:$0x1] =	wrdreg $0xFFFFFFFF  }
0x2b: {  	[dreg:$0x0] =	wrdreg $0x60  }
0x2c: {  	[dreg:$0x2] =	wrdreg s25  }
0x2d: {  	[dreg:$0x3] =	wrdreg s17  }
0x2e: {  	[dreg:$0x4] =	wrdreg $0x9  }
0x2f: {  	_ =	task.clear_ibuf [dreg:s7], $0x5FFFF;
	_ =	strace $0x90000049  }
0x30: {  	s29 =	simm.s32 $0x9;
	_ =	strace $0x8000004B  }
0x31: {  	_ =	swait.ge [sflag:s29], $0x1  }
0x32: {  	[sflag:s29] =	ssyncadd.s32 $0xFFFFFFFF  }
0x33: {  	_ =	strace $0x9000004B  }
0x34: {  	_ =	sfence  }
0x35: {  	s30 =	sld [smem:$0x0];
	_ =	sdelay $0x2  }
0x36: {  	s31 =	sshll.u32 s1, $0xD;
	s1 =	sshrl.u32 s1, $0x2  }
0x37: {  	s3 =	sand.u32 $0x4000, s31;
	s1 =	sadd.s32 s1, s30  }
0x38: {  	s0 =	sor.u32 s3, s0;
	s1 =	sshll.u32 s1, $0x11  }
0x39: {  	s0 =	sor.u32 s1, s0  }
0x3a: {  	s0 =	sadd.s32 $0x8F2B, s0  }
0x3b: {  	[sflag:s0] =	ssyncadd.remote.s32 $0x1  }
0x3c: {  	_ =	sfence.sel $0xFFFF  }
0x3d: {  	[dreg:$0x0] =	wrdreg $0xFFFFFFFF;
	(pc) =	sbr.abs _section_cstart, $3  }
0x3e: {  	[dreg:$0x1] =	wrdreg $0xFFFFFFFF  }
0x3f: {  	_ =	task.clear_ibuf [dreg:s7], $0x2FFFF;
	_ =	strace $0x9FFFFFFF  }
0x40: {  	(tm) =	ssettm $0x7FFFFFFF  }
0x41: {  	_ =	shalt  }
tec
execute0_lowered:
.L_overlay_start_1:
0x0: {  	(tag) =	ssettag $0x1  }
0x1: {  	s0 =	srdreg.scid  }
0x2: {  	s1 =	sshll.u32 s0, $0x4  }
0x3: {  	s4 =	rddreg [dreg:$0x0];
	s0 =	stileid.u32;
	s1 =	sand.u32 $0x10, s1  }
0x4: {  	s2 =	rddreg [dreg:$0x1];
	s7 =	simm.s32 $0x1;
	s1 =	sor.u32 s0, s1  }
0x5: {  	s8 =	simm.s32 $0x2;
	s9 =	simm.s32 $0x0;
	s3 =	sshll.u32 s1, $0x1  }
0x6: {  	s12 =	simm.s32 $0x0;
	s11 =	simm.s32 $0x0;
	s6 =	ssub.s32 $0x1000, s3  }
.Ltmp0:
0x7: {  	s4 =	sadd.s32 $0x1800, s4;
	s5 =	sand.u32 $0x3E, s6;
	(pc) =	sbr.rel .LBB1_1-.Ltmp0, $4  }
0x8: {  	s1 =	rddreg [dreg:$0x2];
	_ =	strace $0x8000004A;
	p0 =	sne.s32 s5, $0x0  }
0x9: {  	s6 =	sshrl.u32 s6, $0x6;
	s5 =	simm.s32 $0x1;
	s7 =	simm.s32 @!p0 $0x0  }
0xa: {  	s10 =	smov.u32 s3;
	[sflag:s5] =	ssyncpa.u1 $0x0;
	s6 =	sadd.s32 s7, s6  }
0xb: {  	[sflag:s8] =	ssyncpa.u1 $0x0;
	s8 =	simm.s32 $0x0;
	s7 =	sadd.s32 $0x1, s6  }
.LBB1_9:
0xc: {  	s14 =	sadd.s32 $0x40, s10  }
0xd: {  	p1 =	sgt.s32 s14, $0xFFF  }
0xe: {  	s14 =	smov.u32 @p1 s3;
	p1 =	sne.s32 s11, s7  }
.Ltmp1:
0xf: {  	p0 =	slt.u32 s11, $0x2;
	(pc) =	sbr.rel @!p1 .LBB1_10-.Ltmp1, $4  }
0x10: {  	s13 =	simm.s32 @!p0 $0x2  }
0x11: {  	s15 =	sadd.s32 $0x1, s11;
	_ =	swait.ge @!p0 [sflag:s13], $0x4000  }
0x12: {  	s12 =	smov.u32 s10;
	s9 =	sadd.s32 $0x4000, s9;
	[sflag:s13] =	ssyncset.done @!p0 $0x0  }
0x13: {  	s11 =	smov.u32 s15;
	s10 =	smov.u32 s14;
	[sflag:s13] =	ssyncadd.s32 @!p0 $0xFFFFC000  }
.LBB1_1:
0x14: {  	p0 =	sge.u32 s11, s6  }
0x15: {  	s13 =	sxor.u32 @!p0 $0xFFFFFFFF, s11  }
0x16: {  	s31 =	sadd.s32 $0xFFFFFFFF, s11;
	s14 =	sshll.u32 @!p0 s10, $0xA;
	s13 =	sshll.u32 @!p0 s13, $0xE  }
0x17: {  	s15 =	simm.s32 @!p0 $0x0;
	s14 =	sadd.s32 @!p0 s4, s14;
	s13 =	sand.u32 @!p0 $0x4000, s13  }
0x18: {  	[tilespmem:s13], [sflag:$0x1] =	stream.linear.gather @!p0 [hbm4b:s14+s15], $0x4000, $0x38;
	[tilespmem:$0x10000] =	vst v63  }
0x19: {  	p0 =	sge.u32 s31, s6  }
.Ltmp2:
0x1a: {  	_ = 	snop;
	(pc) =	sbr.rel @p0 .LBB1_9-.Ltmp2, $1  }
0x1b: {  	_ =	sdelay $0x3  }
0x1c: {  	s13 =	sshll.u32 s9, $0x2  }
0x1d: {  	_ =	swait.ge [sflag:s5], $0x4000;
	s14 =	sshll.u32 s11, $0xE;
	s16 =	simm.s32 $0x0  }
0x1e: {  	p1 =	por $0x1, $0x1;
	s13 =	sand.u32 $0x10000, s13;
	[sflag:s5] =	ssyncset.done $0x0  }
0x1f: {  	s14 =	sand.u32 $0x4000, s14;
	s15 =	sshrl.u32 s13, $0x2;
	[sflag:s5] =	ssyncadd.s32 $0xFFFFC000  }
0x20: {  	s13 =	sor.u32 $0x8000, s14;
	s14 =	sadd.s32 $0x8040, s15;
	s15 =	sadd.s32 $0x40, s15  }
.LBB1_3:
0x21: {  	s16 =	sshll.u32 s16, $0x2  }
0x22: {  	p0 =	por p1, p1;
	s17 =	sshra.s32 s16, $0x2  }
0x23: {  	s18 =	simm.s32 $0x0;
	s16 =	sadd.s32 s17, s14;
	s17 =	sadd.s32 s17, s15  }
.LBB1_4:
0x24: {  	v0 =	vmov s17;
	_ =	sdelay $0x3  }
0x25: {  	s20 =	simm.s32 $0x0  }
0x26: {  	v6 =	vld.idx.msk [tilespmem:v0+s20+$0x30 ss:$0x1], $0xffff  }
0x27: {  	v7 =	vld.idx.msk [tilespmem:v0+s20+$0xFFFFFFC0 ss:$0x1], $0xffff  }
0x28: {  	v5 =	vld.idx.msk [tilespmem:v0+s20+$0xFFFFFFD0 ss:$0x1], $0xffff  }
0x29: {  	v4 =	vld.idx.msk [tilespmem:v0+s20+$0xFFFFFFE0 ss:$0x1], $0xffff  }
0x2a: {  	v3 =	vld.idx.msk [tilespmem:v0+s20+$0xFFFFFFF0 ss:$0x1], $0xffff  }
0x2b: {  	v1 =	vld.idx.msk [tilespmem:v0+s20+$0x0 ss:$0x1], $0xffff  }
0x2c: {  	v2 =	vld.idx.msk [tilespmem:v0+s20+$0x10 ss:$0x1], $0xffff;
	[tilespmem:s16+$0x30] =	vst v6  }
0x2d: {  	s19 =	simm.s32 $0x80;
	s21 =	simm.s32 $0x400;
	[tilespmem:s16+$0xFFFFFFC0] =	vst v7;
	v6 =	vld.idx.msk [tilespmem:v0+s20+$0x20 ss:$0x1], $0xffff;
	s20 =	smov.u32 s16  }
.LBB1_5:
0x2e: {  	p1 =	sne.s32 s21, $0xE00;
	v7 =	vld.idx.msk [tilespmem:v0+s19+$0x30 ss:$0x1], $0xffff;
	[tilespmem:s20+$0xFFFFFFD0] =	vst v5  }
0x2f: {  	v8 =	vld.idx.msk [tilespmem:v0+s19+$0xFFFFFFC0 ss:$0x1], $0xffff;
	[tilespmem:s20+$0xFFFFFFE0] =	vst v4  }
0x30: {  	v5 =	vld.idx.msk [tilespmem:v0+s19+$0xFFFFFFD0 ss:$0x1], $0xffff;
	[tilespmem:s20+$0xFFFFFFF0] =	vst v3  }
.Ltmp3:
0x31: {  	v4 =	vld.idx.msk [tilespmem:v0+s19+$0xFFFFFFE0 ss:$0x1], $0xffff;
	[tilespmem:s20+$0x0] =	vst v1;
	(pc) =	sbr.rel @p1 .LBB1_5-.Ltmp3, $4  }
0x32: {  	v3 =	vld.idx.msk [tilespmem:v0+s19+$0xFFFFFFF0 ss:$0x1], $0xffff;
	[tilespmem:s20+$0x10] =	vst v2  }
0x33: {  	v1 =	vld.idx.msk [tilespmem:v0+s19+$0x0 ss:$0x1], $0xffff;
	[tilespmem:s20+$0x20] =	vst v6;
	s20 =	sadd.s32 $0x400, s20  }
0x34: {  	v2 =	vld.idx.msk [tilespmem:v0+s19+$0x10 ss:$0x1], $0xffff;
	[tilespmem:s20+$0x30] =	vst v7  }
0x35: {  	[tilespmem:s20+$0xFFFFFFC0] =	vst v8;
	v6 =	vld.idx.msk [tilespmem:v0+s19+$0x20 ss:$0x1], $0xffff;
	s19 =	sshra.s32 s21, $0x2;
	s21 =	sadd.s32 $0x200, s21  }
0x36: {  	_ =	sdelay $0x2  }
0x37: {  	[tilespmem:s20+$0xFFFFFFD0] =	vst v5  }
0x38: {  	v56 =	vld.idx.msk [tilespmem:v0+s19+$0x30 ss:$0x1], $0xffff;
	[tilespmem:s20+$0xFFFFFFE0] =	vst v4  }
0x39: {  	v57 =	vld.idx.msk [tilespmem:v0+s19+$0xFFFFFFC0 ss:$0x1], $0xffff;
	[tilespmem:s20+$0xFFFFFFF0] =	vst v3  }
0x3a: {  	v58 =	vld.idx.msk [tilespmem:v0+s19+$0xFFFFFFD0 ss:$0x1], $0xffff;
	[tilespmem:s20+$0x0] =	vst v1  }
0x3b: {  	v59 =	vld.idx.msk [tilespmem:v0+s19+$0xFFFFFFE0 ss:$0x1], $0xffff;
	[tilespmem:s20+$0x10] =	vst v2  }
0x3c: {  	v60 =	vld.idx.msk [tilespmem:v0+s19+$0xFFFFFFF0 ss:$0x1], $0xffff;
	s31 =	sadd.s32 $0x400, s20;
	[tilespmem:s20+$0x20] =	vst v6  }
0x3d: {  	v61 =	vld.idx.msk [tilespmem:v0+s19+$0x0 ss:$0x1], $0xffff;
	[tilespmem:s31+$0x30] =	vst v56  }
0x3e: {  	v62 =	vld.idx.msk [tilespmem:v0+s19+$0x10 ss:$0x1], $0xffff;
	s18 =	sadd.s32 $0x1, s18;
	[tilespmem:s31+$0xFFFFFFC0] =	vst v57  }
0x3f: {  	v63 =	vld.idx.msk [tilespmem:v0+s19+$0x20 ss:$0x1], $0xffff;
	p1 =	sne.s32 s18, $0x8;
	[tilespmem:s31+$0xFFFFFFD0] =	vst v58  }
.Ltmp4:
0x40: {  	[tilespmem:s31+$0xFFFFFFE0] =	vst v59;
	(pc) =	sbr.rel @p1 .LBB1_4-.Ltmp4, $4  }
0x41: {  	[tilespmem:s31+$0xFFFFFFF0] =	vst v60  }
0x42: {  	[tilespmem:s31+$0x0] =	vst v61  }
0x43: {  	[tilespmem:s31+$0x10] =	vst v62  }
0x44: {  	s16 =	sadd.s32 $0x80, s16;
	s17 =	sadd.s32 $0x400, s17;
	[tilespmem:s31+$0x20] =	vst v63  }
.Ltmp5:
0x45: {  	(pc) =	sbr.rel @p0 .LBB1_3-.Ltmp5, $2  }
0x46: {  	_ =	sdelay $0x2  }
0x47: {  	s16 =	simm.s32 $0x2000;
	p1 =	por $0x0, $0x0  }
.Ltmp6:
0x48: {  	(pc) =	sbr.rel .LBB1_9-.Ltmp6, $4  }
0x49: {  	_ = 	snop  }
0x4a: {  	s12 =	sshll.u32 s12, $0xA  }
0x4b: {  	s12 =	sadd.s32 s2, s12  }
0x4c: {  	[hbm4b:s12+s8] =	stream.linear.scatter [tilespmem:s13], [sflag:$0x2], $0x4000, $0x38;
	[tilespmem:$0x10000] =	vst v63  }
.LBB1_10:
0x4d: {  	_ =	sfence.sel $0x180000  }
0x4e: {  	s2 =	simm.s32 $0x1;
	[bflag:$0x0] =	sbarrier.arrive $0xFFFF  }
0x4f: {  	s31 =	simm.s32 $0x2;
	[sflag:s2] =	ssyncpa.u1 $0x1  }
0x50: {  	[sflag:s31] =	ssyncpa.u1 $0x1  }
0x51: {  	p0 =	sne.s32 s0, $0x0;
	_ =	strace $0x9000004A  }
0x52: {  	s0 =	sadd.s32 @!p0 $0x100000, s1;
	[bflag:$0x2] =	sbarrier.arrive $0xFFFF  }
0x53: {  	[sflag:s0] =	ssyncadd.tile.s32 @!p0 $0x1;
	_ =	shalt  }
.Lfunc_end1:
_tile_overlayer_lowered:
.L_overlay_start_2:
0x54: {  	(tag) =	ssettag $0x2  }
0x55: {  	s0 =	rddreg [dreg:$0x0];
	s2 =	stileid.u32  }
0x56: {  	s1 =	rddreg [dreg:$0x1];
	p0 =	sne.s32 s2, $0x0  }
0x57: {  	s3 =	rddreg [dreg:$0x2];
	[bflag:$0x3] =	sbarrier.arrive $0xFFFF;
	s2 =	simm.s32 @!p0 $0x1C01  }
0x58: {  	[timem:s3], [sflag:s2] =	dma.local @!p0 [hbm:s0], s1  }
0x59: {  	s0 =	simm.s32 @!p0 $0x1  }
0x5a: {  	_ =	swait.ge @!p0 [sflag:s0], s1  }
0x5b: {  	s1 =	ssub.s32 @!p0 $0x0, s1;
	[sflag:s0] =	ssyncset.done @!p0 $0x0  }
0x5c: {  	[sflag:s0] =	ssyncadd.s32 @!p0 s1  }
0x5d: {  	[bflag:$0x3] =	sbarrier.arrive $0xFFFF  }
0x5e: {  	_ =	shalt  }

</sc_bundles>
